<compile_context>
chip_gen: v7x
topology: tpu7x:2x2x1
jax: 0.10.2.dev20260603
libtpu: 0.0.44.dev20260713+nightly
codegen_flags: <defaults>
</compile_context>

<pallas_src>
import functools

import jax
import jax.numpy as jnp
import numpy as np
from jax import lax
from jax.experimental import pallas as pl
from jax.experimental.pallas import tpu as pltpu
from jax.experimental.pallas import tpu_sc as plsc

_N = 1000000
_B = 16
_BLK = 16384
_NBLK = 62
_C = float(0.5 * np.log(2.0 * np.pi))
_NEG = -1e30

_NW = 32
_PER_W = 31744
_NPAD = _NW * _PER_W
_CH = 512
_NCHUNK = _PER_W // _CH
_NV = _CH // 16
_NROWS = _N // 16
_CTAB = 65536


def _softplus(x):
    return jnp.maximum(x, 0.0) + jnp.log1p(jnp.exp(-jnp.abs(x)))


def _sc_resample(u_pad, coarse_pad, cdf2d, states_flat, noise_flat):
    mesh = plsc.VectorSubcoreMesh(core_axis_name="c", subcore_axis_name="s")

    @functools.partial(
        pl.kernel,
        out_type=jax.ShapeDtypeStruct((6 * _NPAD,), jnp.float32),
        mesh=mesh,
        compiler_params=pltpu.CompilerParams(
            needs_layout_passes=False, use_tc_tiling_on_sc=False),
        scratch_types=[
            pltpu.VMEM((_CTAB,), jnp.float32),
            pltpu.VMEM((_CH,), jnp.float32),
            pltpu.VMEM((_CH,), jnp.int32),
            pltpu.VMEM((_CH, 16), jnp.float32),
            pltpu.VMEM((_CH,), jnp.int32),
            pltpu.VMEM((_CH,), jnp.int32),
            pltpu.VMEM((_CH,), jnp.int32),
            pltpu.VMEM((_CH,), jnp.float32),
            pltpu.VMEM((_CH,), jnp.float32),
            pltpu.VMEM((_CH,), jnp.float32),
            pltpu.VMEM((3 * _CH,), jnp.float32),
            pltpu.VMEM((_CH,), jnp.float32),
            pltpu.VMEM((_CH,), jnp.float32),
            pltpu.VMEM((_CH,), jnp.float32),
            pltpu.SemaphoreType.DMA,
        ],
    )
    def k(u_hbm, coarse_hbm, cdf2d_hbm, st_hbm, nz_hbm, out_hbm,
          coarse_v, u_v, bkt_v, rows_v, i0_v, i1_v, i2_v, p0_v, p1_v, p2_v,
          nz_v, n0_v, n1_v, n2_v, sem):
        wid = lax.axis_index("s") * 2 + lax.axis_index("c")
        pltpu.sync_copy(coarse_hbm, coarse_v)
        base = wid * _PER_W

        def chunk_body(ci, carry):
            start = base + ci * _CH
            slot_base = jnp.minimum(start, _N - _CH)
            pltpu.sync_copy(u_hbm.at[pl.ds(start, _CH)], u_v)
            pltpu.sync_copy(nz_hbm.at[pl.ds(slot_base * 3, 3 * _CH)], nz_v)

            def coarse_body(vi, c2):
                uu = u_v[pl.ds(vi * 16, 16)]
                lo = jnp.zeros((16,), jnp.int32)
                for sz in (32768, 16384, 8192, 4096, 2048, 1024, 512, 256,
                           128, 64, 32, 16, 8, 4, 2, 1):
                    cv = plsc.load_gather(coarse_v, [lo + (sz - 1)])
                    lo = jnp.where(cv < uu, lo + sz, lo)
                bkt_v[pl.ds(vi * 16, 16)] = jnp.minimum(lo, _NROWS - 1)
                return c2

            lax.fori_loop(0, _NV, coarse_body, 0)

            row_copies = [
                pltpu.async_copy(
                    cdf2d_hbm.at[bkt_v.at[pl.ds(j * 128, 128)]],
                    rows_v.at[pl.ds(j * 128, 128)], sem)
                for j in range(_CH // 128)
            ]
            for c in row_copies:
                c.wait()

            def fine_body(vi, c2):
                uu = u_v[pl.ds(vi * 16, 16)]
                bb = bkt_v[pl.ds(vi * 16, 16)]
                rowid = lax.iota(jnp.int32, 16) + vi * 16
                lo = jnp.zeros((16,), jnp.int32)
                for sz in (8, 4, 2, 1):
                    rv = plsc.load_gather(rows_v, [rowid, lo + (sz - 1)])
                    lo = jnp.where(rv < uu, lo + sz, lo)
                i3 = jnp.minimum(bb * 16 + lo, _N - 1) * 3
                sl = pl.ds(vi * 16, 16)
                i0_v[sl] = i3
                i1_v[sl] = i3 + 1
                i2_v[sl] = i3 + 2
                return c2

            lax.fori_loop(0, _NV, fine_body, 0)

            plane_copies = []
            for iv, pv in ((i0_v, p0_v), (i1_v, p1_v), (i2_v, p2_v)):
                for j in range(_CH // 128):
                    plane_copies.append(pltpu.async_copy(
                        st_hbm.at[iv.at[pl.ds(j * 128, 128)]],
                        pv.at[pl.ds(j * 128, 128)], sem))
            for c in plane_copies:
                c.wait()

            def deint_body(vi, c2):
                sl = pl.ds(vi * 16, 16)
                rel = (start - slot_base) + vi * 16 + lax.iota(jnp.int32, 16)
                for c, nv in enumerate((n0_v, n1_v, n2_v)):
                    nidx = jnp.minimum(rel * 3 + c, 3 * _CH - 1)
                    nv[sl] = plsc.load_gather(nz_v, [nidx])
                return c2

            lax.fori_loop(0, _NV, deint_body, 0)

            pltpu.sync_copy(p0_v, out_hbm.at[pl.ds(start, _CH)])
            pltpu.sync_copy(p1_v, out_hbm.at[pl.ds(_NPAD + start, _CH)])
            pltpu.sync_copy(p2_v, out_hbm.at[pl.ds(2 * _NPAD + start, _CH)])
            pltpu.sync_copy(n0_v, out_hbm.at[pl.ds(3 * _NPAD + start, _CH)])
            pltpu.sync_copy(n1_v, out_hbm.at[pl.ds(4 * _NPAD + start, _CH)])
            pltpu.sync_copy(n2_v, out_hbm.at[pl.ds(5 * _NPAD + start, _CH)])
            return carry

        lax.fori_loop(0, _NCHUNK, chunk_body, 0)

    return k(u_pad, coarse_pad, cdf2d, states_flat, noise_flat)


def _tc_loss_body(res_ref, nz_ref, t_ref, s_ref, e_ref, sig_ref, nscs_ref,
                  out_ref, m_ref, s_acc_ref, mw_ref, sw_ref):
    i = pl.program_id(0)

    @pl.when(i == 0)
    def _init():
        m_ref[...] = jnp.full((_B, 1), _NEG, jnp.float32)
        s_acc_ref[...] = jnp.zeros((_B, 1), jnp.float32)
        mw_ref[...] = jnp.full((1, 1), _NEG, jnp.float32)
        sw_ref[...] = jnp.zeros((1, 1), jnp.float32)

    noise_scale = nscs_ref[0:1, 0:1]
    correct_scale = nscs_ref[1:2, 0:1]

    col = jax.lax.broadcasted_iota(jnp.int32, (1, _BLK), 1) + i * _BLK
    valid = col < _N

    ps = res_ref[0] + nz_ref[0] * (sig_ref[...] * noise_scale)
    a = _softplus(ps[0:1, :])
    slope = _softplus(ps[1:2, :])
    sg = _softplus(ps[2:3, :]) + 0.001
    inv_sg = 1.0 / sg
    ln_sg = jnp.log(sg)

    d = (t_ref[...] - (a + slope * s_ref[...])) * inv_sg
    log_lik = -0.5 * jnp.mean(d * d, axis=0, keepdims=True) - ln_sg - _C
    log_w = correct_scale * log_lik

    zw = jnp.where(valid, log_w, -jnp.inf)
    bmw = jnp.maximum(jnp.max(zw, keepdims=True), _NEG)
    bsw = jnp.sum(jnp.exp(zw - bmw), keepdims=True)
    mw_old = mw_ref[...]
    mw_new = jnp.maximum(mw_old, bmw)
    sw_ref[...] = sw_ref[...] * jnp.exp(mw_old - mw_new) + bsw * jnp.exp(bmw - mw_new)
    mw_ref[...] = mw_new

    ec = (e_ref[...] - a) * inv_sg
    z = jnp.where(valid, log_w + (-0.5 * ec * ec - ln_sg - _C), -jnp.inf)
    bm = jnp.maximum(jnp.max(z, axis=1, keepdims=True), _NEG)
    bs = jnp.sum(jnp.exp(z - bm), axis=1, keepdims=True)
    m_old = m_ref[...]
    m_new = jnp.maximum(m_old, bm)
    s_acc_ref[...] = s_acc_ref[...] * jnp.exp(m_old - m_new) + bs * jnp.exp(bm - m_new)
    m_ref[...] = m_new

    @pl.when(i == _NBLK - 1)
    def _fin():
        lse_b = m_ref[...] + jnp.log(s_acc_ref[...])
        lse_w = mw_ref[...] + jnp.log(sw_ref[...])
        out_ref[...] = -jnp.mean(lse_b, axis=0, keepdims=True) + lse_w


def _tc_loss(pred6, t_obs, s_obs, eol, sigma, nscs, interpret=False):
    small = pl.BlockSpec((_B, 1), lambda i: (0, 0))
    return pl.pallas_call(
        _tc_loss_body,
        grid=(_NBLK,),
        in_specs=[
            pl.BlockSpec((1, 3, _BLK), lambda i: (0, 0, i)),
            pl.BlockSpec((1, 3, _BLK), lambda i: (1, 0, i)),
            small, small, small,
            pl.BlockSpec((3, 1), lambda i: (0, 0)),
            pl.BlockSpec((2, 1), lambda i: (0, 0)),
        ],
        out_specs=pl.BlockSpec((1, 1), lambda i: (0, 0)),
        out_shape=jax.ShapeDtypeStruct((1, 1), jnp.float32),
        scratch_shapes=[
            pltpu.VMEM((_B, 1), jnp.float32),
            pltpu.VMEM((_B, 1), jnp.float32),
            pltpu.VMEM((1, 1), jnp.float32),
            pltpu.VMEM((1, 1), jnp.float32),
        ],
        interpret=interpret,
    )(pred6, pred6,
      t_obs.reshape(_B, 1), s_obs.reshape(_B, 1), eol.reshape(_B, 1),
      sigma.reshape(3, 1), nscs)


def kernel(t_obs, s_obs, eol, states, weights, onsets, sigma, W1, b1, W2, b2, W3, b3, W4, b4):
    n = weights.shape[0]
    key = jax.random.key(42)
    k_res, k_noise = jax.random.split(key)
    u = jax.random.uniform(k_res, (n,), dtype=jnp.float32)
    noise = jax.random.normal(k_noise, (n, 3), dtype=jnp.float32)

    cdf = jnp.cumsum(weights)
    u_pad = jnp.concatenate([u, jnp.zeros((_NPAD - _N,), jnp.float32)])
    cdf2d = cdf.reshape(_NROWS, 16)
    coarse_pad = jnp.concatenate(
        [jnp.max(cdf2d, axis=1), jnp.full((_CTAB - _NROWS,), 2.0, jnp.float32)])
    states_flat = states.reshape(3 * n)
    noise_flat = noise.reshape(3 * n)

    x = jnp.stack([t_obs, s_obs], axis=-1)
    h = jax.nn.relu(x @ W1 + b1)
    h = jax.nn.relu(h @ W2 + b2)
    h = jax.nn.relu(h @ W3 + b3)
    out = jax.nn.softplus(h @ W4 + b4)
    noise_scale = out[..., :-1].mean()
    correct_scale = out[..., -1].mean()
    nscs = jnp.stack([noise_scale, correct_scale]).reshape(2, 1)

    pred6 = _sc_resample(u_pad, coarse_pad, cdf2d, states_flat,
                         noise_flat).reshape(2, 3, _NPAD)

    loss = _tc_loss(pred6, t_obs, s_obs, eol, sigma, nscs)
    return loss.reshape(())

# --- scband reference (transcript-rebuilt; emitter-appended) ---
"""Pipeline reference for scband-particle-filter-model-59287728554316 (READ-ONLY COPY).

The authoritative reference and input builder live on the scoring server;
editing this copy changes nothing except your own understanding.
"""

import jax, jax.numpy as jnp
import numpy as np

N_PARTICLES = 1000000
RP = 3
B = 16


def _normal_logpdf(x, mu, sig):
    return -0.5 * ((x - mu) / sig) ** 2 - jnp.log(sig) - 0.5 * jnp.log(2.0 * jnp.pi)


def setup_inputs(seed: int = 0) -> dict:
    key = jax.random.key(seed)
    ks = jax.random.split(key, 16)
    t_obs = jax.random.uniform(ks[0], (B,), dtype=jnp.float32) * 50.0
    s_obs = jax.random.uniform(ks[1], (B,), dtype=jnp.float32)
    eol = jax.random.uniform(ks[2], (B,), dtype=jnp.float32) * 100.0
    # particle filter state (module buffers): raw params, weights, onsets, fitted noise sigma
    states = jax.random.normal(ks[3], (N_PARTICLES, RP), dtype=jnp.float32)
    weights = jnp.full((N_PARTICLES,), 1.0 / N_PARTICLES, dtype=jnp.float32)
    onsets = jnp.zeros((N_PARTICLES,), dtype=jnp.float32)
    sigma = jnp.abs(jax.random.normal(ks[4], (RP,), dtype=jnp.float32)) + 1e-06
    # ParticleFilterMLP params, layer_dims = [2, 32, 32, 16, 2]
    dims = [2, 32, 32, 16, 2]
    params = {}
    for i in range(4):
        params['W%d' % (i + 1)] = jax.random.normal(ks[5 + i], (dims[i], dims[i + 1]), dtype=jnp.float32) * (1.0 / np.sqrt(dims[i]))
        params['b%d' % (i + 1)] = jnp.zeros((dims[i + 1],), dtype=jnp.float32)
    inp = dict(t_obs=t_obs, s_obs=s_obs, eol=eol, states=states, weights=weights, onsets=onsets, sigma=sigma)
    inp.update(params)
    return inp


def reference(t_obs, s_obs, eol, states, weights, onsets, sigma, W1, b1, W2, b2, W3, b3, W4, b4):
    # ParticleFilterModel.step(t_obs, s_obs, eol)
    key = jax.random.key(42)
    k_res, k_noise = jax.random.split(key)
    # MLP tuple_forward -> (noise_scale, correct_scale), softplus output head
    x = jnp.stack([t_obs, s_obs], axis=-1)
    h = jax.nn.relu(x @ W1 + b1)
    h = jax.nn.relu(h @ W2 + b2)
    h = jax.nn.relu(h @ W3 + b3)
    out = jax.nn.softplus(h @ W4 + b4)
    noise_scale = out[..., :-1].mean()
    correct_scale = out[..., -1].mean()
    # multinomial resampling (no_grad in torch): inverse-CDF to avoid O(N^2) gumbel
    n = weights.shape[0]
    cdf = jnp.cumsum(weights)
    u = jax.random.uniform(k_res, (n,), dtype=jnp.float32)
    idx = jnp.clip(jnp.searchsorted(cdf, u), 0, n - 1)
    res_states = jnp.take(states, idx, axis=0)
    # DiagonalMahalanobisNoise roughening (torch forward is @no_grad)
    noise = jax.random.normal(k_noise, res_states.shape, dtype=jnp.float32)
    pred_states = jax.lax.stop_gradient(res_states + noise * sigma[None, :] * noise_scale)
    # DegModel surrogate: raw params -> (a, slope, sig) via softplus; time dist Normal(a + slope*s, sig)
    a = jax.nn.softplus(pred_states[:, 0])
    slope = jax.nn.softplus(pred_states[:, 1])
    sg = jax.nn.softplus(pred_states[:, 2]) + 0.001
    mean_t = a[None, :] + slope[None, :] * s_obs[:, None]  # [B, N]
    log_lik = _normal_logpdf(t_obs[:, None], mean_t, sg[None, :]).mean(axis=0)  # [N]
    log_w = correct_scale * log_lik
    new_weights = jax.nn.softmax(log_w)
    # mixture EOL distribution at s = 0 -> components Normal(a, sg)
    comp_lp = _normal_logpdf(eol[:, None], a[None, :], sg[None, :])  # [B, N]
    mix_lp = jax.scipy.special.logsumexp(jnp.log(new_weights)[None, :] + comp_lp, axis=1)
    loss = -mix_lp.mean()
    return loss

if __name__ == "__main__":
    import jax
    _d = setup_inputs()
    print(jax.jit(kernel)(*tuple(_d.values())))

</pallas_src>

<mosaic_0001>
#map = affine_map<(d0, d1) -> (0)>
#map1 = affine_map<(d0, d1) -> (0, 0)>
module attributes {stable_mosaic.version = 14 : i64} {
  func.func @k(%arg0: i32, %arg1: i32, %arg2: memref<1015808xf32, #tpu.memory_space<hbm>>, %arg3: memref<65536xf32, #tpu.memory_space<hbm>>, %arg4: memref<62500x16xf32, #tpu.memory_space<hbm>>, %arg5: memref<3000000xf32, #tpu.memory_space<hbm>>, %arg6: memref<3000000xf32, #tpu.memory_space<hbm>>, %arg7: memref<6094848xf32, #tpu.memory_space<hbm>>, %arg8: memref<65536xf32, #tpu.memory_space<vmem>>, %arg9: memref<512xf32, #tpu.memory_space<vmem>>, %arg10: memref<512xi32, #tpu.memory_space<vmem>>, %arg11: memref<512x16xf32, #tpu.memory_space<vmem>>, %arg12: memref<512xi32, #tpu.memory_space<vmem>>, %arg13: memref<512xi32, #tpu.memory_space<vmem>>, %arg14: memref<512xi32, #tpu.memory_space<vmem>>, %arg15: memref<512xf32, #tpu.memory_space<vmem>>, %arg16: memref<512xf32, #tpu.memory_space<vmem>>, %arg17: memref<512xf32, #tpu.memory_space<vmem>>, %arg18: memref<1536xf32, #tpu.memory_space<vmem>>, %arg19: memref<512xf32, #tpu.memory_space<vmem>>, %arg20: memref<512xf32, #tpu.memory_space<vmem>>, %arg21: memref<512xf32, #tpu.memory_space<vmem>>, %arg22: memref<!tpu.dma_semaphore, #tpu.memory_space<semaphore_mem>>) attributes {dimension_semantics = [#tpu.dimension_semantics<core_parallel>, #tpu.dimension_semantics<subcore_parallel>], iteration_bounds = array<i64: 2, 16>, scalar_prefetch = 0 : i64, scratch_operands = 15 : i64, tpu.core_type = #tpu.core_type<sc_vector_subcore>, window_params = [{transform_indices = #map}, {transform_indices = #map}, {transform_indices = #map1}, {transform_indices = #map}, {transform_indices = #map}, {transform_indices = #map}]} {
    %mul3A = arith.constant 2 : i32
    %mul3A_0 = arith.muli %arg1, %mul3A : i32
    %add3A = arith.addi %mul3A_0, %arg0 : i32
    "tpu.region"() ({
      %run_scoped3A = tpu.sem_alloc : memref<!tpu.dma_semaphore, #tpu.memory_space<semaphore_mem>>
      tpu.enqueue_dma source(%arg3 : memref<65536xf32, #tpu.memory_space<hbm>>) target(%arg8 : memref<65536xf32, #tpu.memory_space<vmem>>) target_semaphore(%run_scoped3A : memref<!tpu.dma_semaphore, #tpu.memory_space<semaphore_mem>>)
      tpu.wait_dma2 semaphore(%run_scoped3A : memref<!tpu.dma_semaphore, #tpu.memory_space<semaphore_mem>>) src(%arg3 : memref<65536xf32, #tpu.memory_space<hbm>>) dst(%arg8 : memref<65536xf32, #tpu.memory_space<vmem>>)
      tpu.yield
    }) : () -> ()
    %mul3A_1 = arith.constant 31744 : i32
    %mul3A_2 = arith.muli %add3A, %mul3A_1 : i32
    %scan3A = arith.constant 0 : i32
    %scan3A_3 = arith.constant 0 : i32
    %scan3A_4 = arith.constant 62 : i32
    %scan3A_5 = arith.addi %scan3A_3, %scan3A_4 : i32
    %scan3A_6 = arith.constant 1 : i32
    scf.for %scan3A_8 = %scan3A_3 to %scan3A_5 step %scan3A_6  : i32 {
      %mul3A_9 = arith.constant 512 : i32
      %mul3A_10 = arith.muli %scan3A_8, %mul3A_9 : i32
      %add3A_11 = arith.addi %mul3A_2, %mul3A_10 : i32
      %min3A = arith.constant 999488 : i32
      %min3A_12 = arith.minsi %add3A_11, %min3A : i32
      "tpu.region"() ({
        %run_scoped3A = tpu.sem_alloc : memref<!tpu.dma_semaphore, #tpu.memory_space<semaphore_mem>>
        %dma_start3A_249 = tpu.memref_slice %arg2[%add3A_11] : memref<1015808xf32, #tpu.memory_space<hbm>> -> memref<512xf32, #tpu.memory_space<hbm>>
        %dma_start3A_250 = tpu.memref_slice %arg2[%add3A_11] : memref<1015808xf32, #tpu.memory_space<hbm>> -> memref<512xf32, #tpu.memory_space<hbm>>
        tpu.enqueue_dma source(%dma_start3A_250 : memref<512xf32, #tpu.memory_space<hbm>>) target(%arg9 : memref<512xf32, #tpu.memory_space<vmem>>) target_semaphore(%run_scoped3A : memref<!tpu.dma_semaphore, #tpu.memory_space<semaphore_mem>>)
        %dma_wait3A_251 = tpu.memref_slice %arg2[%add3A_11] : memref<1015808xf32, #tpu.memory_space<hbm>> -> memref<512xf32, #tpu.memory_space<hbm>>
        %dma_wait3A_252 = tpu.memref_slice %arg2[%add3A_11] : memref<1015808xf32, #tpu.memory_space<hbm>> -> memref<512xf32, #tpu.memory_space<hbm>>
        tpu.wait_dma2 semaphore(%run_scoped3A : memref<!tpu.dma_semaphore, #tpu.memory_space<semaphore_mem>>) src(%dma_wait3A_252 : memref<512xf32, #tpu.memory_space<hbm>>) dst(%arg9 : memref<512xf32, #tpu.memory_space<vmem>>)
        tpu.yield
      }) : () -> ()
      %mul3A_13 = arith.constant 3 : i32
      %mul3A_14 = arith.muli %min3A_12, %mul3A_13 : i32
      "tpu.region"() ({
        %run_scoped3A = tpu.sem_alloc : memref<!tpu.dma_semaphore, #tpu.memory_space<semaphore_mem>>
        %dma_start3A_249 = tpu.memref_slice %arg6[%mul3A_14] : memref<3000000xf32, #tpu.memory_space<hbm>> -> memref<1536xf32, #tpu.memory_space<hbm>>
        %dma_start3A_250 = tpu.memref_slice %arg6[%mul3A_14] : memref<3000000xf32, #tpu.memory_space<hbm>> -> memref<1536xf32, #tpu.memory_space<hbm>>
        tpu.enqueue_dma source(%dma_start3A_250 : memref<1536xf32, #tpu.memory_space<hbm>>) target(%arg18 : memref<1536xf32, #tpu.memory_space<vmem>>) target_semaphore(%run_scoped3A : memref<!tpu.dma_semaphore, #tpu.memory_space<semaphore_mem>>)
        %dma_wait3A_251 = tpu.memref_slice %arg6[%mul3A_14] : memref<3000000xf32, #tpu.memory_space<hbm>> -> memref<1536xf32, #tpu.memory_space<hbm>>
        %dma_wait3A_252 = tpu.memref_slice %arg6[%mul3A_14] : memref<3000000xf32, #tpu.memory_space<hbm>> -> memref<1536xf32, #tpu.memory_space<hbm>>
        tpu.wait_dma2 semaphore(%run_scoped3A : memref<!tpu.dma_semaphore, #tpu.memory_space<semaphore_mem>>) src(%dma_wait3A_252 : memref<1536xf32, #tpu.memory_space<hbm>>) dst(%arg18 : memref<1536xf32, #tpu.memory_space<vmem>>)
        tpu.yield
      }) : () -> ()
      %scan3A_15 = arith.constant 0 : i32
      %scan3A_16 = arith.constant 0 : i32
      %scan3A_17 = arith.constant 32 : i32
      %scan3A_18 = arith.addi %scan3A_16, %scan3A_17 : i32
      %scan3A_19 = arith.constant 1 : i32
      scf.for %scan3A_249 = %scan3A_16 to %scan3A_18 step %scan3A_19  : i32 {
        %mul3A_250 = arith.constant 16 : i32
        %mul3A_251 = arith.muli %scan3A_249, %mul3A_250 : i32
        %get3A = arith.index_cast %mul3A_251 : i32 to index
        %get3A_252 = tpu.vector_load %arg9[%get3A] {strides = array<i32>} : memref<512xf32, #tpu.memory_space<vmem>>, vector<16xf32>,
        %broadcast_in_dim3A = arith.constant 0 : i32
        %broadcast_in_dim3A_253 = vector.broadcast %broadcast_in_dim3A : i32 to vector<16xi32>
        %add3A_254 = arith.constant 32767 : i32
        %add3A_255 = vector.broadcast %add3A_254 : i32 to vector<16xi32>
        %add3A_256 = arith.addi %broadcast_in_dim3A_253, %add3A_255 : vector<16xi32>
        %gather3A = tpu.vector_load_idx %arg8[%add3A_256] : memref<65536xf32, #tpu.memory_space<vmem>>[vector<16xi32>], vector<16xf32>,
        %lt3A = arith.cmpf olt, %gather3A, %get3A_252 : vector<16xf32>
        %add3A_257 = arith.constant 32768 : i32
        %add3A_258 = vector.broadcast %add3A_257 : i32 to vector<16xi32>
        %add3A_259 = arith.addi %broadcast_in_dim3A_253, %add3A_258 : vector<16xi32>
        %select_n3A = arith.select %lt3A, %add3A_259, %broadcast_in_dim3A_253 : vector<16xi1>, vector<16xi32>
        %add3A_260 = arith.constant 16383 : i32
        %add3A_261 = vector.broadcast %add3A_260 : i32 to vector<16xi32>
        %add3A_262 = arith.addi %select_n3A, %add3A_261 : vector<16xi32>
        %gather3A_263 = tpu.vector_load_idx %arg8[%add3A_262] : memref<65536xf32, #tpu.memory_space<vmem>>[vector<16xi32>], vector<16xf32>,
        %lt3A_264 = arith.cmpf olt, %gather3A_263, %get3A_252 : vector<16xf32>
        %add3A_265 = arith.constant 16384 : i32
        %add3A_266 = vector.broadcast %add3A_265 : i32 to vector<16xi32>
        %add3A_267 = arith.addi %select_n3A, %add3A_266 : vector<16xi32>
        %select_n3A_268 = arith.select %lt3A_264, %add3A_267, %select_n3A : vector<16xi1>, vector<16xi32>
        %add3A_269 = arith.constant 8191 : i32
        %add3A_270 = vector.broadcast %add3A_269 : i32 to vector<16xi32>
        %add3A_271 = arith.addi %select_n3A_268, %add3A_270 : vector<16xi32>
        %gather3A_272 = tpu.vector_load_idx %arg8[%add3A_271] : memref<65536xf32, #tpu.memory_space<vmem>>[vector<16xi32>], vector<16xf32>,
        %lt3A_273 = arith.cmpf olt, %gather3A_272, %get3A_252 : vector<16xf32>
        %add3A_274 = arith.constant 8192 : i32
        %add3A_275 = vector.broadcast %add3A_274 : i32 to vector<16xi32>
        %add3A_276 = arith.addi %select_n3A_268, %add3A_275 : vector<16xi32>
        %select_n3A_277 = arith.select %lt3A_273, %add3A_276, %select_n3A_268 : vector<16xi1>, vector<16xi32>
        %add3A_278 = arith.constant 4095 : i32
        %add3A_279 = vector.broadcast %add3A_278 : i32 to vector<16xi32>
        %add3A_280 = arith.addi %select_n3A_277, %add3A_279 : vector<16xi32>
        %gather3A_281 = tpu.vector_load_idx %arg8[%add3A_280] : memref<65536xf32, #tpu.memory_space<vmem>>[vector<16xi32>], vector<16xf32>,
        %lt3A_282 = arith.cmpf olt, %gather3A_281, %get3A_252 : vector<16xf32>
        %add3A_283 = arith.constant 4096 : i32
        %add3A_284 = vector.broadcast %add3A_283 : i32 to vector<16xi32>
        %add3A_285 = arith.addi %select_n3A_277, %add3A_284 : vector<16xi32>
        %select_n3A_286 = arith.select %lt3A_282, %add3A_285, %select_n3A_277 : vector<16xi1>, vector<16xi32>
        %add3A_287 = arith.constant 2047 : i32
        %add3A_288 = vector.broadcast %add3A_287 : i32 to vector<16xi32>
        %add3A_289 = arith.addi %select_n3A_286, %add3A_288 : vector<16xi32>
        %gather3A_290 = tpu.vector_load_idx %arg8[%add3A_289] : memref<65536xf32, #tpu.memory_space<vmem>>[vector<16xi32>], vector<16xf32>,
        %lt3A_291 = arith.cmpf olt, %gather3A_290, %get3A_252 : vector<16xf32>
        %add3A_292 = arith.constant 2048 : i32
        %add3A_293 = vector.broadcast %add3A_292 : i32 to vector<16xi32>
        %add3A_294 = arith.addi %select_n3A_286, %add3A_293 : vector<16xi32>
        %select_n3A_295 = arith.select %lt3A_291, %add3A_294, %select_n3A_286 : vector<16xi1>, vector<16xi32>
        %add3A_296 = arith.constant 1023 : i32
        %add3A_297 = vector.broadcast %add3A_296 : i32 to vector<16xi32>
        %add3A_298 = arith.addi %select_n3A_295, %add3A_297 : vector<16xi32>
        %gather3A_299 = tpu.vector_load_idx %arg8[%add3A_298] : memref<65536xf32, #tpu.memory_space<vmem>>[vector<16xi32>], vector<16xf32>,
        %lt3A_300 = arith.cmpf olt, %gather3A_299, %get3A_252 : vector<16xf32>
        %add3A_301 = arith.constant 1024 : i32
        %add3A_302 = vector.broadcast %add3A_301 : i32 to vector<16xi32>
        %add3A_303 = arith.addi %select_n3A_295, %add3A_302 : vector<16xi32>
        %select_n3A_304 = arith.select %lt3A_300, %add3A_303, %select_n3A_295 : vector<16xi1>, vector<16xi32>
        %add3A_305 = arith.constant 511 : i32
        %add3A_306 = vector.broadcast %add3A_305 : i32 to vector<16xi32>
        %add3A_307 = arith.addi %select_n3A_304, %add3A_306 : vector<16xi32>
        %gather3A_308 = tpu.vector_load_idx %arg8[%add3A_307] : memref<65536xf32, #tpu.memory_space<vmem>>[vector<16xi32>], vector<16xf32>,
        %lt3A_309 = arith.cmpf olt, %gather3A_308, %get3A_252 : vector<16xf32>
        %add3A_310 = arith.constant 512 : i32
        %add3A_311 = vector.broadcast %add3A_310 : i32 to vector<16xi32>
        %add3A_312 = arith.addi %select_n3A_304, %add3A_311 : vector<16xi32>
        %select_n3A_313 = arith.select %lt3A_309, %add3A_312, %select_n3A_304 : vector<16xi1>, vector<16xi32>
        %add3A_314 = arith.constant 255 : i32
        %add3A_315 = vector.broadcast %add3A_314 : i32 to vector<16xi32>
        %add3A_316 = arith.addi %select_n3A_313, %add3A_315 : vector<16xi32>
        %gather3A_317 = tpu.vector_load_idx %arg8[%add3A_316] : memref<65536xf32, #tpu.memory_space<vmem>>[vector<16xi32>], vector<16xf32>,
        %lt3A_318 = arith.cmpf olt, %gather3A_317, %get3A_252 : vector<16xf32>
        %add3A_319 = arith.constant 256 : i32
        %add3A_320 = vector.broadcast %add3A_319 : i32 to vector<16xi32>
        %add3A_321 = arith.addi %select_n3A_313, %add3A_320 : vector<16xi32>
        %select_n3A_322 = arith.select %lt3A_318, %add3A_321, %select_n3A_313 : vector<16xi1>, vector<16xi32>
        %add3A_323 = arith.constant 127 : i32
        %add3A_324 = vector.broadcast %add3A_323 : i32 to vector<16xi32>
        %add3A_325 = arith.addi %select_n3A_322, %add3A_324 : vector<16xi32>
        %gather3A_326 = tpu.vector_load_idx %arg8[%add3A_325] : memref<65536xf32, #tpu.memory_space<vmem>>[vector<16xi32>], vector<16xf32>,
        %lt3A_327 = arith.cmpf olt, %gather3A_326, %get3A_252 : vector<16xf32>
        %add3A_328 = arith.constant 128 : i32
        %add3A_329 = vector.broadcast %add3A_328 : i32 to vector<16xi32>
        %add3A_330 = arith.addi %select_n3A_322, %add3A_329 : vector<16xi32>
        %select_n3A_331 = arith.select %lt3A_327, %add3A_330, %select_n3A_322 : vector<16xi1>, vector<16xi32>
        %add3A_332 = arith.constant 63 : i32
        %add3A_333 = vector.broadcast %add3A_332 : i32 to vector<16xi32>
        %add3A_334 = arith.addi %select_n3A_331, %add3A_333 : vector<16xi32>
        %gather3A_335 = tpu.vector_load_idx %arg8[%add3A_334] : memref<65536xf32, #tpu.memory_space<vmem>>[vector<16xi32>], vector<16xf32>,
        %lt3A_336 = arith.cmpf olt, %gather3A_335, %get3A_252 : vector<16xf32>
        %add3A_337 = arith.constant 64 : i32
        %add3A_338 = vector.broadcast %add3A_337 : i32 to vector<16xi32>
        %add3A_339 = arith.addi %select_n3A_331, %add3A_338 : vector<16xi32>
        %select_n3A_340 = arith.select %lt3A_336, %add3A_339, %select_n3A_331 : vector<16xi1>, vector<16xi32>
        %add3A_341 = arith.constant 31 : i32
        %add3A_342 = vector.broadcast %add3A_341 : i32 to vector<16xi32>
        %add3A_343 = arith.addi %select_n3A_340, %add3A_342 : vector<16xi32>
        %gather3A_344 = tpu.vector_load_idx %arg8[%add3A_343] : memref<65536xf32, #tpu.memory_space<vmem>>[vector<16xi32>], vector<16xf32>,
        %lt3A_345 = arith.cmpf olt, %gather3A_344, %get3A_252 : vector<16xf32>
        %add3A_346 = arith.constant 32 : i32
        %add3A_347 = vector.broadcast %add3A_346 : i32 to vector<16xi32>
        %add3A_348 = arith.addi %select_n3A_340, %add3A_347 : vector<16xi32>
        %select_n3A_349 = arith.select %lt3A_345, %add3A_348, %select_n3A_340 : vector<16xi1>, vector<16xi32>
        %add3A_350 = arith.constant 15 : i32
        %add3A_351 = vector.broadcast %add3A_350 : i32 to vector<16xi32>
        %add3A_352 = arith.addi %select_n3A_349, %add3A_351 : vector<16xi32>
        %gather3A_353 = tpu.vector_load_idx %arg8[%add3A_352] : memref<65536xf32, #tpu.memory_space<vmem>>[vector<16xi32>], vector<16xf32>,
        %lt3A_354 = arith.cmpf olt, %gather3A_353, %get3A_252 : vector<16xf32>
        %add3A_355 = arith.constant 16 : i32
        %add3A_356 = vector.broadcast %add3A_355 : i32 to vector<16xi32>
        %add3A_357 = arith.addi %select_n3A_349, %add3A_356 : vector<16xi32>
        %select_n3A_358 = arith.select %lt3A_354, %add3A_357, %select_n3A_349 : vector<16xi1>, vector<16xi32>
        %add3A_359 = arith.constant 7 : i32
        %add3A_360 = vector.broadcast %add3A_359 : i32 to vector<16xi32>
        %add3A_361 = arith.addi %select_n3A_358, %add3A_360 : vector<16xi32>
        %gather3A_362 = tpu.vector_load_idx %arg8[%add3A_361] : memref<65536xf32, #tpu.memory_space<vmem>>[vector<16xi32>], vector<16xf32>,
        %lt3A_363 = arith.cmpf olt, %gather3A_362, %get3A_252 : vector<16xf32>
        %add3A_364 = arith.constant 8 : i32
        %add3A_365 = vector.broadcast %add3A_364 : i32 to vector<16xi32>
        %add3A_366 = arith.addi %select_n3A_358, %add3A_365 : vector<16xi32>
        %select_n3A_367 = arith.select %lt3A_363, %add3A_366, %select_n3A_358 : vector<16xi1>, vector<16xi32>
        %add3A_368 = arith.constant 3 : i32
        %add3A_369 = vector.broadcast %add3A_368 : i32 to vector<16xi32>
        %add3A_370 = arith.addi %select_n3A_367, %add3A_369 : vector<16xi32>
        %gather3A_371 = tpu.vector_load_idx %arg8[%add3A_370] : memref<65536xf32, #tpu.memory_space<vmem>>[vector<16xi32>], vector<16xf32>,
        %lt3A_372 = arith.cmpf olt, %gather3A_371, %get3A_252 : vector<16xf32>
        %add3A_373 = arith.constant 4 : i32
        %add3A_374 = vector.broadcast %add3A_373 : i32 to vector<16xi32>
        %add3A_375 = arith.addi %select_n3A_367, %add3A_374 : vector<16xi32>
        %select_n3A_376 = arith.select %lt3A_372, %add3A_375, %select_n3A_367 : vector<16xi1>, vector<16xi32>
        %add3A_377 = arith.constant 1 : i32
        %add3A_378 = vector.broadcast %add3A_377 : i32 to vector<16xi32>
        %add3A_379 = arith.addi %select_n3A_376, %add3A_378 : vector<16xi32>
        %gather3A_380 = tpu.vector_load_idx %arg8[%add3A_379] : memref<65536xf32, #tpu.memory_space<vmem>>[vector<16xi32>], vector<16xf32>,
        %lt3A_381 = arith.cmpf olt, %gather3A_380, %get3A_252 : vector<16xf32>
        %add3A_382 = arith.constant 2 : i32
        %add3A_383 = vector.broadcast %add3A_382 : i32 to vector<16xi32>
        %add3A_384 = arith.addi %select_n3A_376, %add3A_383 : vector<16xi32>
        %select_n3A_385 = arith.select %lt3A_381, %add3A_384, %select_n3A_376 : vector<16xi1>, vector<16xi32>
        %add3A_386 = arith.constant 0 : i32
        %add3A_387 = vector.broadcast %add3A_386 : i32 to vector<16xi32>
        %add3A_388 = arith.addi %select_n3A_385, %add3A_387 : vector<16xi32>
        %gather3A_389 = tpu.vector_load_idx %arg8[%add3A_388] : memref<65536xf32, #tpu.memory_space<vmem>>[vector<16xi32>], vector<16xf32>,
        %lt3A_390 = arith.cmpf olt, %gather3A_389, %get3A_252 : vector<16xf32>
        %add3A_391 = arith.constant 1 : i32
        %add3A_392 = vector.broadcast %add3A_391 : i32 to vector<16xi32>
        %add3A_393 = arith.addi %select_n3A_385, %add3A_392 : vector<16xi32>
        %select_n3A_394 = arith.select %lt3A_390, %add3A_393, %select_n3A_385 : vector<16xi1>, vector<16xi32>
        %min3A_395 = arith.constant 62499 : i32
        %min3A_396 = vector.broadcast %min3A_395 : i32 to vector<16xi32>
        %min3A_397 = arith.minsi %select_n3A_394, %min3A_396 : vector<16xi32>
        %mul3A_398 = arith.constant 16 : i32
        %mul3A_399 = arith.muli %scan3A_249, %mul3A_398 : i32
        %swap3A = arith.index_cast %mul3A_399 : i32 to index
        %swap3A_400 = tpu.vector_load %arg10[%swap3A] {strides = array<i32>} : memref<512xi32, #tpu.memory_space<vmem>>, vector<16xi32>,
        tpu.vector_store %arg10[%swap3A], %min3A_397 {strides = array<i32>} : memref<512xi32, #tpu.memory_space<vmem>>, vector<16xi32>,
      }
      %scan3A_20 = arith.constant 32 : i32
      %dma_start3A = arith.constant 0 : i32
      %dma_start3A_21 = arith.constant 0 : i32
      %dma_start3A_22 = tpu.memref_slice %arg11[%dma_start3A, %dma_start3A_21] : memref<512x16xf32, #tpu.memory_space<vmem>> -> memref<128x16xf32, #tpu.memory_space<vmem>>
      %dma_start3A_23 = arith.constant 0 : i32
      %dma_start3A_24 = tpu.memref_slice %arg10[%dma_start3A_23] : memref<512xi32, #tpu.memory_space<vmem>> -> memref<128xi32, #tpu.memory_space<vmem>>
      %dma_start3A_25 = arith.constant 0 : i32
      %dma_start3A_26 = arith.constant 0 : i32
      %dma_start3A_27 = tpu.memref_slice %arg4[%dma_start3A_25, %dma_start3A_26] : memref<62500x16xf32, #tpu.memory_space<hbm>> -> memref<62500x16xf32, #tpu.memory_space<hbm>>
      tpu.enqueue_indirect_dma source(%dma_start3A_27 : memref<62500x16xf32, #tpu.memory_space<hbm>>) target(%dma_start3A_22 : memref<128x16xf32, #tpu.memory_space<vmem>>) offsets(%dma_start3A_24 : memref<128xi32, #tpu.memory_space<vmem>>) semaphore(%arg22 : memref<!tpu.dma_semaphore, #tpu.memory_space<semaphore_mem>>)
      %dma_start3A_28 = arith.constant 128 : i32
      %dma_start3A_29 = arith.constant 0 : i32
      %dma_start3A_30 = tpu.memref_slice %arg11[%dma_start3A_28, %dma_start3A_29] : memref<512x16xf32, #tpu.memory_space<vmem>> -> memref<128x16xf32, #tpu.memory_space<vmem>>
      %dma_start3A_31 = arith.constant 128 : i32
      %dma_start3A_32 = tpu.memref_slice %arg10[%dma_start3A_31] : memref<512xi32, #tpu.memory_space<vmem>> -> memref<128xi32, #tpu.memory_space<vmem>>
      %dma_start3A_33 = arith.constant 0 : i32
      %dma_start3A_34 = arith.constant 0 : i32
      %dma_start3A_35 = tpu.memref_slice %arg4[%dma_start3A_33, %dma_start3A_34] : memref<62500x16xf32, #tpu.memory_space<hbm>> -> memref<62500x16xf32, #tpu.memory_space<hbm>>
      tpu.enqueue_indirect_dma source(%dma_start3A_35 : memref<62500x16xf32, #tpu.memory_space<hbm>>) target(%dma_start3A_30 : memref<128x16xf32, #tpu.memory_space<vmem>>) offsets(%dma_start3A_32 : memref<128xi32, #tpu.memory_space<vmem>>) semaphore(%arg22 : memref<!tpu.dma_semaphore, #tpu.memory_space<semaphore_mem>>)
      %dma_start3A_36 = arith.constant 256 : i32
      %dma_start3A_37 = arith.constant 0 : i32
      %dma_start3A_38 = tpu.memref_slice %arg11[%dma_start3A_36, %dma_start3A_37] : memref<512x16xf32, #tpu.memory_space<vmem>> -> memref<128x16xf32, #tpu.memory_space<vmem>>
      %dma_start3A_39 = arith.constant 256 : i32
      %dma_start3A_40 = tpu.memref_slice %arg10[%dma_start3A_39] : memref<512xi32, #tpu.memory_space<vmem>> -> memref<128xi32, #tpu.memory_space<vmem>>
      %dma_start3A_41 = arith.constant 0 : i32
      %dma_start3A_42 = arith.constant 0 : i32
      %dma_start3A_43 = tpu.memref_slice %arg4[%dma_start3A_41, %dma_start3A_42] : memref<62500x16xf32, #tpu.memory_space<hbm>> -> memref<62500x16xf32, #tpu.memory_space<hbm>>
      tpu.enqueue_indirect_dma source(%dma_start3A_43 : memref<62500x16xf32, #tpu.memory_space<hbm>>) target(%dma_start3A_38 : memref<128x16xf32, #tpu.memory_space<vmem>>) offsets(%dma_start3A_40 : memref<128xi32, #tpu.memory_space<vmem>>) semaphore(%arg22 : memref<!tpu.dma_semaphore, #tpu.memory_space<semaphore_mem>>)
      %dma_start3A_44 = arith.constant 384 : i32
      %dma_start3A_45 = arith.constant 0 : i32
      %dma_start3A_46 = tpu.memref_slice %arg11[%dma_start3A_44, %dma_start3A_45] : memref<512x16xf32, #tpu.memory_space<vmem>> -> memref<128x16xf32, #tpu.memory_space<vmem>>
      %dma_start3A_47 = arith.constant 384 : i32
      %dma_start3A_48 = tpu.memref_slice %arg10[%dma_start3A_47] : memref<512xi32, #tpu.memory_space<vmem>> -> memref<128xi32, #tpu.memory_space<vmem>>
      %dma_start3A_49 = arith.constant 0 : i32
      %dma_start3A_50 = arith.constant 0 : i32
      %dma_start3A_51 = tpu.memref_slice %arg4[%dma_start3A_49, %dma_start3A_50] : memref<62500x16xf32, #tpu.memory_space<hbm>> -> memref<62500x16xf32, #tpu.memory_space<hbm>>
      tpu.enqueue_indirect_dma source(%dma_start3A_51 : memref<62500x16xf32, #tpu.memory_space<hbm>>) target(%dma_start3A_46 : memref<128x16xf32, #tpu.memory_space<vmem>>) offsets(%dma_start3A_48 : memref<128xi32, #tpu.memory_space<vmem>>) semaphore(%arg22 : memref<!tpu.dma_semaphore, #tpu.memory_space<semaphore_mem>>)
      %dma_wait3A = arith.constant 0 : i32
      %dma_wait3A_52 = arith.constant 0 : i32
      %dma_wait3A_53 = tpu.memref_slice %arg11[%dma_wait3A, %dma_wait3A_52] : memref<512x16xf32, #tpu.memory_space<vmem>> -> memref<128x16xf32, #tpu.memory_space<vmem>>
      %dma_wait3A_54 = arith.constant 0 : i32
      %dma_wait3A_55 = tpu.memref_slice %arg10[%dma_wait3A_54] : memref<512xi32, #tpu.memory_space<vmem>> -> memref<128xi32, #tpu.memory_space<vmem>>
      %dma_wait3A_56 = arith.constant 0 : i32
      %dma_wait3A_57 = arith.constant 0 : i32
      %dma_wait3A_58 = tpu.memref_slice %arg4[%dma_wait3A_56, %dma_wait3A_57] : memref<62500x16xf32, #tpu.memory_space<hbm>> -> memref<62500x16xf32, #tpu.memory_space<hbm>>
      tpu.wait_indirect_dma semaphore(%arg22 : memref<!tpu.dma_semaphore, #tpu.memory_space<semaphore_mem>>) src(%dma_wait3A_58 : memref<62500x16xf32, #tpu.memory_space<hbm>>) dst(%dma_wait3A_53 : memref<128x16xf32, #tpu.memory_space<vmem>>)
      %dma_wait3A_59 = arith.constant 128 : i32
      %dma_wait3A_60 = arith.constant 0 : i32
      %dma_wait3A_61 = tpu.memref_slice %arg11[%dma_wait3A_59, %dma_wait3A_60] : memref<512x16xf32, #tpu.memory_space<vmem>> -> memref<128x16xf32, #tpu.memory_space<vmem>>
      %dma_wait3A_62 = arith.constant 128 : i32
      %dma_wait3A_63 = tpu.memref_slice %arg10[%dma_wait3A_62] : memref<512xi32, #tpu.memory_space<vmem>> -> memref<128xi32, #tpu.memory_space<vmem>>
      %dma_wait3A_64 = arith.constant 0 : i32
      %dma_wait3A_65 = arith.constant 0 : i32
      %dma_wait3A_66 = tpu.memref_slice %arg4[%dma_wait3A_64, %dma_wait3A_65] : memref<62500x16xf32, #tpu.memory_space<hbm>> -> memref<62500x16xf32, #tpu.memory_space<hbm>>
      tpu.wait_indirect_dma semaphore(%arg22 : memref<!tpu.dma_semaphore, #tpu.memory_space<semaphore_mem>>) src(%dma_wait3A_66 : memref<62500x16xf32, #tpu.memory_space<hbm>>) dst(%dma_wait3A_61 : memref<128x16xf32, #tpu.memory_space<vmem>>)
      %dma_wait3A_67 = arith.constant 256 : i32
      %dma_wait3A_68 = arith.constant 0 : i32
      %dma_wait3A_69 = tpu.memref_slice %arg11[%dma_wait3A_67, %dma_wait3A_68] : memref<512x16xf32, #tpu.memory_space<vmem>> -> memref<128x16xf32, #tpu.memory_space<vmem>>
      %dma_wait3A_70 = arith.constant 256 : i32
      %dma_wait3A_71 = tpu.memref_slice %arg10[%dma_wait3A_70] : memref<512xi32, #tpu.memory_space<vmem>> -> memref<128xi32, #tpu.memory_space<vmem>>
      %dma_wait3A_72 = arith.constant 0 : i32
      %dma_wait3A_73 = arith.constant 0 : i32
      %dma_wait3A_74 = tpu.memref_slice %arg4[%dma_wait3A_72, %dma_wait3A_73] : memref<62500x16xf32, #tpu.memory_space<hbm>> -> memref<62500x16xf32, #tpu.memory_space<hbm>>
      tpu.wait_indirect_dma semaphore(%arg22 : memref<!tpu.dma_semaphore, #tpu.memory_space<semaphore_mem>>) src(%dma_wait3A_74 : memref<62500x16xf32, #tpu.memory_space<hbm>>) dst(%dma_wait3A_69 : memref<128x16xf32, #tpu.memory_space<vmem>>)
      %dma_wait3A_75 = arith.constant 384 : i32
      %dma_wait3A_76 = arith.constant 0 : i32
      %dma_wait3A_77 = tpu.memref_slice %arg11[%dma_wait3A_75, %dma_wait3A_76] : memref<512x16xf32, #tpu.memory_space<vmem>> -> memref<128x16xf32, #tpu.memory_space<vmem>>
      %dma_wait3A_78 = arith.constant 384 : i32
      %dma_wait3A_79 = tpu.memref_slice %arg10[%dma_wait3A_78] : memref<512xi32, #tpu.memory_space<vmem>> -> memref<128xi32, #tpu.memory_space<vmem>>
      %dma_wait3A_80 = arith.constant 0 : i32
      %dma_wait3A_81 = arith.constant 0 : i32
      %dma_wait3A_82 = tpu.memref_slice %arg4[%dma_wait3A_80, %dma_wait3A_81] : memref<62500x16xf32, #tpu.memory_space<hbm>> -> memref<62500x16xf32, #tpu.memory_space<hbm>>
      tpu.wait_indirect_dma semaphore(%arg22 : memref<!tpu.dma_semaphore, #tpu.memory_space<semaphore_mem>>) src(%dma_wait3A_82 : memref<62500x16xf32, #tpu.memory_space<hbm>>) dst(%dma_wait3A_77 : memref<128x16xf32, #tpu.memory_space<vmem>>)
      %scan3A_83 = arith.constant 0 : i32
      %scan3A_84 = arith.constant 0 : i32
      %scan3A_85 = arith.constant 32 : i32
      %scan3A_86 = arith.addi %scan3A_84, %scan3A_85 : i32
      %scan3A_87 = arith.constant 1 : i32
      scf.for %scan3A_249 = %scan3A_84 to %scan3A_86 step %scan3A_87  : i32 {
        %mul3A_250 = arith.constant 16 : i32
        %mul3A_251 = arith.muli %scan3A_249, %mul3A_250 : i32
        %get3A = arith.index_cast %mul3A_251 : i32 to index
        %get3A_252 = tpu.vector_load %arg9[%get3A] {strides = array<i32>} : memref<512xf32, #tpu.memory_space<vmem>>, vector<16xf32>,
        %mul3A_253 = arith.constant 16 : i32
        %mul3A_254 = arith.muli %scan3A_249, %mul3A_253 : i32
        %get3A_255 = arith.index_cast %mul3A_254 : i32 to index
        %get3A_256 = tpu.vector_load %arg10[%get3A_255] {strides = array<i32>} : memref<512xi32, #tpu.memory_space<vmem>>, vector<16xi32>,
        %iota3A = tpu.iota {dimensions = array<i32: 0>} : vector<16xi32>
        %mul3A_257 = arith.constant 16 : i32
        %mul3A_258 = arith.muli %scan3A_249, %mul3A_257 : i32
        %add3A_259 = vector.broadcast %mul3A_258 : i32 to vector<16xi32>
        %add3A_260 = arith.addi %iota3A, %add3A_259 : vector<16xi32>
        %broadcast_in_dim3A = arith.constant 0 : i32
        %broadcast_in_dim3A_261 = vector.broadcast %broadcast_in_dim3A : i32 to vector<16xi32>
        %add3A_262 = arith.constant 7 : i32
        %add3A_263 = vector.broadcast %add3A_262 : i32 to vector<16xi32>
        %add3A_264 = arith.addi %broadcast_in_dim3A_261, %add3A_263 : vector<16xi32>
        %gather3A = tpu.vector_load_idx %arg11[%add3A_260, %add3A_264] : memref<512x16xf32, #tpu.memory_space<vmem>>[vector<16xi32>, vector<16xi32>], vector<16xf32>,
        %lt3A = arith.cmpf olt, %gather3A, %get3A_252 : vector<16xf32>
        %add3A_265 = arith.constant 8 : i32
        %add3A_266 = vector.broadcast %add3A_265 : i32 to vector<16xi32>
        %add3A_267 = arith.addi %broadcast_in_dim3A_261, %add3A_266 : vector<16xi32>
        %select_n3A = arith.select %lt3A, %add3A_267, %broadcast_in_dim3A_261 : vector<16xi1>, vector<16xi32>
        %add3A_268 = arith.constant 3 : i32
        %add3A_269 = vector.broadcast %add3A_268 : i32 to vector<16xi32>
        %add3A_270 = arith.addi %select_n3A, %add3A_269 : vector<16xi32>
        %gather3A_271 = tpu.vector_load_idx %arg11[%add3A_260, %add3A_270] : memref<512x16xf32, #tpu.memory_space<vmem>>[vector<16xi32>, vector<16xi32>], vector<16xf32>,
        %lt3A_272 = arith.cmpf olt, %gather3A_271, %get3A_252 : vector<16xf32>
        %add3A_273 = arith.constant 4 : i32
        %add3A_274 = vector.broadcast %add3A_273 : i32 to vector<16xi32>
        %add3A_275 = arith.addi %select_n3A, %add3A_274 : vector<16xi32>
        %select_n3A_276 = arith.select %lt3A_272, %add3A_275, %select_n3A : vector<16xi1>, vector<16xi32>
        %add3A_277 = arith.constant 1 : i32
        %add3A_278 = vector.broadcast %add3A_277 : i32 to vector<16xi32>
        %add3A_279 = arith.addi %select_n3A_276, %add3A_278 : vector<16xi32>
        %gather3A_280 = tpu.vector_load_idx %arg11[%add3A_260, %add3A_279] : memref<512x16xf32, #tpu.memory_space<vmem>>[vector<16xi32>, vector<16xi32>], vector<16xf32>,
        %lt3A_281 = arith.cmpf olt, %gather3A_280, %get3A_252 : vector<16xf32>
        %add3A_282 = arith.constant 2 : i32
        %add3A_283 = vector.broadcast %add3A_282 : i32 to vector<16xi32>
        %add3A_284 = arith.addi %select_n3A_276, %add3A_283 : vector<16xi32>
        %select_n3A_285 = arith.select %lt3A_281, %add3A_284, %select_n3A_276 : vector<16xi1>, vector<16xi32>
        %add3A_286 = arith.constant 0 : i32
        %add3A_287 = vector.broadcast %add3A_286 : i32 to vector<16xi32>
        %add3A_288 = arith.addi %select_n3A_285, %add3A_287 : vector<16xi32>
        %gather3A_289 = tpu.vector_load_idx %arg11[%add3A_260, %add3A_288] : memref<512x16xf32, #tpu.memory_space<vmem>>[vector<16xi32>, vector<16xi32>], vector<16xf32>,
        %lt3A_290 = arith.cmpf olt, %gather3A_289, %get3A_252 : vector<16xf32>
        %add3A_291 = arith.constant 1 : i32
        %add3A_292 = vector.broadcast %add3A_291 : i32 to vector<16xi32>
        %add3A_293 = arith.addi %select_n3A_285, %add3A_292 : vector<16xi32>
        %select_n3A_294 = arith.select %lt3A_290, %add3A_293, %select_n3A_285 : vector<16xi1>, vector<16xi32>
        %mul3A_295 = arith.constant 16 : i32
        %mul3A_296 = vector.broadcast %mul3A_295 : i32 to vector<16xi32>
        %mul3A_297 = arith.muli %get3A_256, %mul3A_296 : vector<16xi32>
        %add3A_298 = arith.addi %mul3A_297, %select_n3A_294 : vector<16xi32>
        %min3A_299 = arith.constant 999999 : i32
        %min3A_300 = vector.broadcast %min3A_299 : i32 to vector<16xi32>
        %min3A_301 = arith.minsi %add3A_298, %min3A_300 : vector<16xi32>
        %mul3A_302 = arith.constant 3 : i32
        %mul3A_303 = vector.broadcast %mul3A_302 : i32 to vector<16xi32>
        %mul3A_304 = arith.muli %min3A_301, %mul3A_303 : vector<16xi32>
        %mul3A_305 = arith.constant 16 : i32
        %mul3A_306 = arith.muli %scan3A_249, %mul3A_305 : i32
        %swap3A = arith.index_cast %mul3A_306 : i32 to index
        %swap3A_307 = tpu.vector_load %arg12[%swap3A] {strides = array<i32>} : memref<512xi32, #tpu.memory_space<vmem>>, vector<16xi32>,
        tpu.vector_store %arg12[%swap3A], %mul3A_304 {strides = array<i32>} : memref<512xi32, #tpu.memory_space<vmem>>, vector<16xi32>,
        %add3A_308 = arith.constant 1 : i32
        %add3A_309 = vector.broadcast %add3A_308 : i32 to vector<16xi32>
        %add3A_310 = arith.addi %mul3A_304, %add3A_309 : vector<16xi32>
        %swap3A_311 = arith.index_cast %mul3A_306 : i32 to index
        %swap3A_312 = tpu.vector_load %arg13[%swap3A_311] {strides = array<i32>} : memref<512xi32, #tpu.memory_space<vmem>>, vector<16xi32>,
        tpu.vector_store %arg13[%swap3A_311], %add3A_310 {strides = array<i32>} : memref<512xi32, #tpu.memory_space<vmem>>, vector<16xi32>,
        %add3A_313 = arith.constant 2 : i32
        %add3A_314 = vector.broadcast %add3A_313 : i32 to vector<16xi32>
        %add3A_315 = arith.addi %mul3A_304, %add3A_314 : vector<16xi32>
        %swap3A_316 = arith.index_cast %mul3A_306 : i32 to index
        %swap3A_317 = tpu.vector_load %arg14[%swap3A_316] {strides = array<i32>} : memref<512xi32, #tpu.memory_space<vmem>>, vector<16xi32>,
        tpu.vector_store %arg14[%swap3A_316], %add3A_315 {strides = array<i32>} : memref<512xi32, #tpu.memory_space<vmem>>, vector<16xi32>,
      }
      %scan3A_88 = arith.constant 32 : i32
      %dma_start3A_89 = arith.constant 0 : i32
      %dma_start3A_90 = tpu.memref_slice %arg15[%dma_start3A_89] : memref<512xf32, #tpu.memory_space<vmem>> -> memref<128xf32, #tpu.memory_space<vmem>>
      %dma_start3A_91 = arith.constant 0 : i32
      %dma_start3A_92 = tpu.memref_slice %arg12[%dma_start3A_91] : memref<512xi32, #tpu.memory_space<vmem>> -> memref<128xi32, #tpu.memory_space<vmem>>
      %dma_start3A_93 = arith.constant 0 : i32
      %dma_start3A_94 = tpu.memref_slice %arg5[%dma_start3A_93] : memref<3000000xf32, #tpu.memory_space<hbm>> -> memref<3000000xf32, #tpu.memory_space<hbm>>
      tpu.enqueue_indirect_dma source(%dma_start3A_94 : memref<3000000xf32, #tpu.memory_space<hbm>>) target(%dma_start3A_90 : memref<128xf32, #tpu.memory_space<vmem>>) offsets(%dma_start3A_92 : memref<128xi32, #tpu.memory_space<vmem>>) semaphore(%arg22 : memref<!tpu.dma_semaphore, #tpu.memory_space<semaphore_mem>>)
      %dma_start3A_95 = arith.constant 128 : i32
      %dma_start3A_96 = tpu.memref_slice %arg15[%dma_start3A_95] : memref<512xf32, #tpu.memory_space<vmem>> -> memref<128xf32, #tpu.memory_space<vmem>>
      %dma_start3A_97 = arith.constant 128 : i32
      %dma_start3A_98 = tpu.memref_slice %arg12[%dma_start3A_97] : memref<512xi32, #tpu.memory_space<vmem>> -> memref<128xi32, #tpu.memory_space<vmem>>
      %dma_start3A_99 = arith.constant 0 : i32
      %dma_start3A_100 = tpu.memref_slice %arg5[%dma_start3A_99] : memref<3000000xf32, #tpu.memory_space<hbm>> -> memref<3000000xf32, #tpu.memory_space<hbm>>
      tpu.enqueue_indirect_dma source(%dma_start3A_100 : memref<3000000xf32, #tpu.memory_space<hbm>>) target(%dma_start3A_96 : memref<128xf32, #tpu.memory_space<vmem>>) offsets(%dma_start3A_98 : memref<128xi32, #tpu.memory_space<vmem>>) semaphore(%arg22 : memref<!tpu.dma_semaphore, #tpu.memory_space<semaphore_mem>>)
      %dma_start3A_101 = arith.constant 256 : i32
      %dma_start3A_102 = tpu.memref_slice %arg15[%dma_start3A_101] : memref<512xf32, #tpu.memory_space<vmem>> -> memref<128xf32, #tpu.memory_space<vmem>>
      %dma_start3A_103 = arith.constant 256 : i32
      %dma_start3A_104 = tpu.memref_slice %arg12[%dma_start3A_103] : memref<512xi32, #tpu.memory_space<vmem>> -> memref<128xi32, #tpu.memory_space<vmem>>
      %dma_start3A_105 = arith.constant 0 : i32
      %dma_start3A_106 = tpu.memref_slice %arg5[%dma_start3A_105] : memref<3000000xf32, #tpu.memory_space<hbm>> -> memref<3000000xf32, #tpu.memory_space<hbm>>
      tpu.enqueue_indirect_dma source(%dma_start3A_106 : memref<3000000xf32, #tpu.memory_space<hbm>>) target(%dma_start3A_102 : memref<128xf32, #tpu.memory_space<vmem>>) offsets(%dma_start3A_104 : memref<128xi32, #tpu.memory_space<vmem>>) semaphore(%arg22 : memref<!tpu.dma_semaphore, #tpu.memory_space<semaphore_mem>>)
      %dma_start3A_107 = arith.constant 384 : i32
      %dma_start3A_108 = tpu.memref_slice %arg15[%dma_start3A_107] : memref<512xf32, #tpu.memory_space<vmem>> -> memref<128xf32, #tpu.memory_space<vmem>>
      %dma_start3A_109 = arith.constant 384 : i32
      %dma_start3A_110 = tpu.memref_slice %arg12[%dma_start3A_109] : memref<512xi32, #tpu.memory_space<vmem>> -> memref<128xi32, #tpu.memory_space<vmem>>
      %dma_start3A_111 = arith.constant 0 : i32
      %dma_start3A_112 = tpu.memref_slice %arg5[%dma_start3A_111] : memref<3000000xf32, #tpu.memory_space<hbm>> -> memref<3000000xf32, #tpu.memory_space<hbm>>
      tpu.enqueue_indirect_dma source(%dma_start3A_112 : memref<3000000xf32, #tpu.memory_space<hbm>>) target(%dma_start3A_108 : memref<128xf32, #tpu.memory_space<vmem>>) offsets(%dma_start3A_110 : memref<128xi32, #tpu.memory_space<vmem>>) semaphore(%arg22 : memref<!tpu.dma_semaphore, #tpu.memory_space<semaphore_mem>>)
      %dma_start3A_113 = arith.constant 0 : i32
      %dma_start3A_114 = tpu.memref_slice %arg16[%dma_start3A_113] : memref<512xf32, #tpu.memory_space<vmem>> -> memref<128xf32, #tpu.memory_space<vmem>>
      %dma_start3A_115 = arith.constant 0 : i32
      %dma_start3A_116 = tpu.memref_slice %arg13[%dma_start3A_115] : memref<512xi32, #tpu.memory_space<vmem>> -> memref<128xi32, #tpu.memory_space<vmem>>
      %dma_start3A_117 = arith.constant 0 : i32
      %dma_start3A_118 = tpu.memref_slice %arg5[%dma_start3A_117] : memref<3000000xf32, #tpu.memory_space<hbm>> -> memref<3000000xf32, #tpu.memory_space<hbm>>
      tpu.enqueue_indirect_dma source(%dma_start3A_118 : memref<3000000xf32, #tpu.memory_space<hbm>>) target(%dma_start3A_114 : memref<128xf32, #tpu.memory_space<vmem>>) offsets(%dma_start3A_116 : memref<128xi32, #tpu.memory_space<vmem>>) semaphore(%arg22 : memref<!tpu.dma_semaphore, #tpu.memory_space<semaphore_mem>>)
      %dma_start3A_119 = arith.constant 128 : i32
      %dma_start3A_120 = tpu.memref_slice %arg16[%dma_start3A_119] : memref<512xf32, #tpu.memory_space<vmem>> -> memref<128xf32, #tpu.memory_space<vmem>>
      %dma_start3A_121 = arith.constant 128 : i32
      %dma_start3A_122 = tpu.memref_slice %arg13[%dma_start3A_121] : memref<512xi32, #tpu.memory_space<vmem>> -> memref<128xi32, #tpu.memory_space<vmem>>
      %dma_start3A_123 = arith.constant 0 : i32
      %dma_start3A_124 = tpu.memref_slice %arg5[%dma_start3A_123] : memref<3000000xf32, #tpu.memory_space<hbm>> -> memref<3000000xf32, #tpu.memory_space<hbm>>
      tpu.enqueue_indirect_dma source(%dma_start3A_124 : memref<3000000xf32, #tpu.memory_space<hbm>>) target(%dma_start3A_120 : memref<128xf32, #tpu.memory_space<vmem>>) offsets(%dma_start3A_122 : memref<128xi32, #tpu.memory_space<vmem>>) semaphore(%arg22 : memref<!tpu.dma_semaphore, #tpu.memory_space<semaphore_mem>>)
      %dma_start3A_125 = arith.constant 256 : i32
      %dma_start3A_126 = tpu.memref_slice %arg16[%dma_start3A_125] : memref<512xf32, #tpu.memory_space<vmem>> -> memref<128xf32, #tpu.memory_space<vmem>>
      %dma_start3A_127 = arith.constant 256 : i32
      %dma_start3A_128 = tpu.memref_slice %arg13[%dma_start3A_127] : memref<512xi32, #tpu.memory_space<vmem>> -> memref<128xi32, #tpu.memory_space<vmem>>
      %dma_start3A_129 = arith.constant 0 : i32
      %dma_start3A_130 = tpu.memref_slice %arg5[%dma_start3A_129] : memref<3000000xf32, #tpu.memory_space<hbm>> -> memref<3000000xf32, #tpu.memory_space<hbm>>
      tpu.enqueue_indirect_dma source(%dma_start3A_130 : memref<3000000xf32, #tpu.memory_space<hbm>>) target(%dma_start3A_126 : memref<128xf32, #tpu.memory_space<vmem>>) offsets(%dma_start3A_128 : memref<128xi32, #tpu.memory_space<vmem>>) semaphore(%arg22 : memref<!tpu.dma_semaphore, #tpu.memory_space<semaphore_mem>>)
      %dma_start3A_131 = arith.constant 384 : i32
      %dma_start3A_132 = tpu.memref_slice %arg16[%dma_start3A_131] : memref<512xf32, #tpu.memory_space<vmem>> -> memref<128xf32, #tpu.memory_space<vmem>>
      %dma_start3A_133 = arith.constant 384 : i32
      %dma_start3A_134 = tpu.memref_slice %arg13[%dma_start3A_133] : memref<512xi32, #tpu.memory_space<vmem>> -> memref<128xi32, #tpu.memory_space<vmem>>
      %dma_start3A_135 = arith.constant 0 : i32
      %dma_start3A_136 = tpu.memref_slice %arg5[%dma_start3A_135] : memref<3000000xf32, #tpu.memory_space<hbm>> -> memref<3000000xf32, #tpu.memory_space<hbm>>
      tpu.enqueue_indirect_dma source(%dma_start3A_136 : memref<3000000xf32, #tpu.memory_space<hbm>>) target(%dma_start3A_132 : memref<128xf32, #tpu.memory_space<vmem>>) offsets(%dma_start3A_134 : memref<128xi32, #tpu.memory_space<vmem>>) semaphore(%arg22 : memref<!tpu.dma_semaphore, #tpu.memory_space<semaphore_mem>>)
      %dma_start3A_137 = arith.constant 0 : i32
      %dma_start3A_138 = tpu.memref_slice %arg17[%dma_start3A_137] : memref<512xf32, #tpu.memory_space<vmem>> -> memref<128xf32, #tpu.memory_space<vmem>>
      %dma_start3A_139 = arith.constant 0 : i32
      %dma_start3A_140 = tpu.memref_slice %arg14[%dma_start3A_139] : memref<512xi32, #tpu.memory_space<vmem>> -> memref<128xi32, #tpu.memory_space<vmem>>
      %dma_start3A_141 = arith.constant 0 : i32
      %dma_start3A_142 = tpu.memref_slice %arg5[%dma_start3A_141] : memref<3000000xf32, #tpu.memory_space<hbm>> -> memref<3000000xf32, #tpu.memory_space<hbm>>
      tpu.enqueue_indirect_dma source(%dma_start3A_142 : memref<3000000xf32, #tpu.memory_space<hbm>>) target(%dma_start3A_138 : memref<128xf32, #tpu.memory_space<vmem>>) offsets(%dma_start3A_140 : memref<128xi32, #tpu.memory_space<vmem>>) semaphore(%arg22 : memref<!tpu.dma_semaphore, #tpu.memory_space<semaphore_mem>>)
      %dma_start3A_143 = arith.constant 128 : i32
      %dma_start3A_144 = tpu.memref_slice %arg17[%dma_start3A_143] : memref<512xf32, #tpu.memory_space<vmem>> -> memref<128xf32, #tpu.memory_space<vmem>>
      %dma_start3A_145 = arith.constant 128 : i32
      %dma_start3A_146 = tpu.memref_slice %arg14[%dma_start3A_145] : memref<512xi32, #tpu.memory_space<vmem>> -> memref<128xi32, #tpu.memory_space<vmem>>
      %dma_start3A_147 = arith.constant 0 : i32
      %dma_start3A_148 = tpu.memref_slice %arg5[%dma_start3A_147] : memref<3000000xf32, #tpu.memory_space<hbm>> -> memref<3000000xf32, #tpu.memory_space<hbm>>
      tpu.enqueue_indirect_dma source(%dma_start3A_148 : memref<3000000xf32, #tpu.memory_space<hbm>>) target(%dma_start3A_144 : memref<128xf32, #tpu.memory_space<vmem>>) offsets(%dma_start3A_146 : memref<128xi32, #tpu.memory_space<vmem>>) semaphore(%arg22 : memref<!tpu.dma_semaphore, #tpu.memory_space<semaphore_mem>>)
      %dma_start3A_149 = arith.constant 256 : i32
      %dma_start3A_150 = tpu.memref_slice %arg17[%dma_start3A_149] : memref<512xf32, #tpu.memory_space<vmem>> -> memref<128xf32, #tpu.memory_space<vmem>>
      %dma_start3A_151 = arith.constant 256 : i32
      %dma_start3A_152 = tpu.memref_slice %arg14[%dma_start3A_151] : memref<512xi32, #tpu.memory_space<vmem>> -> memref<128xi32, #tpu.memory_space<vmem>>
      %dma_start3A_153 = arith.constant 0 : i32
      %dma_start3A_154 = tpu.memref_slice %arg5[%dma_start3A_153] : memref<3000000xf32, #tpu.memory_space<hbm>> -> memref<3000000xf32, #tpu.memory_space<hbm>>
      tpu.enqueue_indirect_dma source(%dma_start3A_154 : memref<3000000xf32, #tpu.memory_space<hbm>>) target(%dma_start3A_150 : memref<128xf32, #tpu.memory_space<vmem>>) offsets(%dma_start3A_152 : memref<128xi32, #tpu.memory_space<vmem>>) semaphore(%arg22 : memref<!tpu.dma_semaphore, #tpu.memory_space<semaphore_mem>>)
      %dma_start3A_155 = arith.constant 384 : i32
      %dma_start3A_156 = tpu.memref_slice %arg17[%dma_start3A_155] : memref<512xf32, #tpu.memory_space<vmem>> -> memref<128xf32, #tpu.memory_space<vmem>>
      %dma_start3A_157 = arith.constant 384 : i32
      %dma_start3A_158 = tpu.memref_slice %arg14[%dma_start3A_157] : memref<512xi32, #tpu.memory_space<vmem>> -> memref<128xi32, #tpu.memory_space<vmem>>
      %dma_start3A_159 = arith.constant 0 : i32
      %dma_start3A_160 = tpu.memref_slice %arg5[%dma_start3A_159] : memref<3000000xf32, #tpu.memory_space<hbm>> -> memref<3000000xf32, #tpu.memory_space<hbm>>
      tpu.enqueue_indirect_dma source(%dma_start3A_160 : memref<3000000xf32, #tpu.memory_space<hbm>>) target(%dma_start3A_156 : memref<128xf32, #tpu.memory_space<vmem>>) offsets(%dma_start3A_158 : memref<128xi32, #tpu.memory_space<vmem>>) semaphore(%arg22 : memref<!tpu.dma_semaphore, #tpu.memory_space<semaphore_mem>>)
      %dma_wait3A_161 = arith.constant 0 : i32
      %dma_wait3A_162 = tpu.memref_slice %arg15[%dma_wait3A_161] : memref<512xf32, #tpu.memory_space<vmem>> -> memref<128xf32, #tpu.memory_space<vmem>>
      %dma_wait3A_163 = arith.constant 0 : i32
      %dma_wait3A_164 = tpu.memref_slice %arg12[%dma_wait3A_163] : memref<512xi32, #tpu.memory_space<vmem>> -> memref<128xi32, #tpu.memory_space<vmem>>
      %dma_wait3A_165 = arith.constant 0 : i32
      %dma_wait3A_166 = tpu.memref_slice %arg5[%dma_wait3A_165] : memref<3000000xf32, #tpu.memory_space<hbm>> -> memref<3000000xf32, #tpu.memory_space<hbm>>
      tpu.wait_indirect_dma semaphore(%arg22 : memref<!tpu.dma_semaphore, #tpu.memory_space<semaphore_mem>>) src(%dma_wait3A_166 : memref<3000000xf32, #tpu.memory_space<hbm>>) dst(%dma_wait3A_162 : memref<128xf32, #tpu.memory_space<vmem>>)
      %dma_wait3A_167 = arith.constant 128 : i32
      %dma_wait3A_168 = tpu.memref_slice %arg15[%dma_wait3A_167] : memref<512xf32, #tpu.memory_space<vmem>> -> memref<128xf32, #tpu.memory_space<vmem>>
      %dma_wait3A_169 = arith.constant 128 : i32
      %dma_wait3A_170 = tpu.memref_slice %arg12[%dma_wait3A_169] : memref<512xi32, #tpu.memory_space<vmem>> -> memref<128xi32, #tpu.memory_space<vmem>>
      %dma_wait3A_171 = arith.constant 0 : i32
      %dma_wait3A_172 = tpu.memref_slice %arg5[%dma_wait3A_171] : memref<3000000xf32, #tpu.memory_space<hbm>> -> memref<3000000xf32, #tpu.memory_space<hbm>>
      tpu.wait_indirect_dma semaphore(%arg22 : memref<!tpu.dma_semaphore, #tpu.memory_space<semaphore_mem>>) src(%dma_wait3A_172 : memref<3000000xf32, #tpu.memory_space<hbm>>) dst(%dma_wait3A_168 : memref<128xf32, #tpu.memory_space<vmem>>)
      %dma_wait3A_173 = arith.constant 256 : i32
      %dma_wait3A_174 = tpu.memref_slice %arg15[%dma_wait3A_173] : memref<512xf32, #tpu.memory_space<vmem>> -> memref<128xf32, #tpu.memory_space<vmem>>
      %dma_wait3A_175 = arith.constant 256 : i32
      %dma_wait3A_176 = tpu.memref_slice %arg12[%dma_wait3A_175] : memref<512xi32, #tpu.memory_space<vmem>> -> memref<128xi32, #tpu.memory_space<vmem>>
      %dma_wait3A_177 = arith.constant 0 : i32
      %dma_wait3A_178 = tpu.memref_slice %arg5[%dma_wait3A_177] : memref<3000000xf32, #tpu.memory_space<hbm>> -> memref<3000000xf32, #tpu.memory_space<hbm>>
      tpu.wait_indirect_dma semaphore(%arg22 : memref<!tpu.dma_semaphore, #tpu.memory_space<semaphore_mem>>) src(%dma_wait3A_178 : memref<3000000xf32, #tpu.memory_space<hbm>>) dst(%dma_wait3A_174 : memref<128xf32, #tpu.memory_space<vmem>>)
      %dma_wait3A_179 = arith.constant 384 : i32
      %dma_wait3A_180 = tpu.memref_slice %arg15[%dma_wait3A_179] : memref<512xf32, #tpu.memory_space<vmem>> -> memref<128xf32, #tpu.memory_space<vmem>>
      %dma_wait3A_181 = arith.constant 384 : i32
      %dma_wait3A_182 = tpu.memref_slice %arg12[%dma_wait3A_181] : memref<512xi32, #tpu.memory_space<vmem>> -> memref<128xi32, #tpu.memory_space<vmem>>
      %dma_wait3A_183 = arith.constant 0 : i32
      %dma_wait3A_184 = tpu.memref_slice %arg5[%dma_wait3A_183] : memref<3000000xf32, #tpu.memory_space<hbm>> -> memref<3000000xf32, #tpu.memory_space<hbm>>
      tpu.wait_indirect_dma semaphore(%arg22 : memref<!tpu.dma_semaphore, #tpu.memory_space<semaphore_mem>>) src(%dma_wait3A_184 : memref<3000000xf32, #tpu.memory_space<hbm>>) dst(%dma_wait3A_180 : memref<128xf32, #tpu.memory_space<vmem>>)
      %dma_wait3A_185 = arith.constant 0 : i32
      %dma_wait3A_186 = tpu.memref_slice %arg16[%dma_wait3A_185] : memref<512xf32, #tpu.memory_space<vmem>> -> memref<128xf32, #tpu.memory_space<vmem>>
      %dma_wait3A_187 = arith.constant 0 : i32
      %dma_wait3A_188 = tpu.memref_slice %arg13[%dma_wait3A_187] : memref<512xi32, #tpu.memory_space<vmem>> -> memref<128xi32, #tpu.memory_space<vmem>>
      %dma_wait3A_189 = arith.constant 0 : i32
      %dma_wait3A_190 = tpu.memref_slice %arg5[%dma_wait3A_189] : memref<3000000xf32, #tpu.memory_space<hbm>> -> memref<3000000xf32, #tpu.memory_space<hbm>>
      tpu.wait_indirect_dma semaphore(%arg22 : memref<!tpu.dma_semaphore, #tpu.memory_space<semaphore_mem>>) src(%dma_wait3A_190 : memref<3000000xf32, #tpu.memory_space<hbm>>) dst(%dma_wait3A_186 : memref<128xf32, #tpu.memory_space<vmem>>)
      %dma_wait3A_191 = arith.constant 128 : i32
      %dma_wait3A_192 = tpu.memref_slice %arg16[%dma_wait3A_191] : memref<512xf32, #tpu.memory_space<vmem>> -> memref<128xf32, #tpu.memory_space<vmem>>
      %dma_wait3A_193 = arith.constant 128 : i32
      %dma_wait3A_194 = tpu.memref_slice %arg13[%dma_wait3A_193] : memref<512xi32, #tpu.memory_space<vmem>> -> memref<128xi32, #tpu.memory_space<vmem>>
      %dma_wait3A_195 = arith.constant 0 : i32
      %dma_wait3A_196 = tpu.memref_slice %arg5[%dma_wait3A_195] : memref<3000000xf32, #tpu.memory_space<hbm>> -> memref<3000000xf32, #tpu.memory_space<hbm>>
      tpu.wait_indirect_dma semaphore(%arg22 : memref<!tpu.dma_semaphore, #tpu.memory_space<semaphore_mem>>) src(%dma_wait3A_196 : memref<3000000xf32, #tpu.memory_space<hbm>>) dst(%dma_wait3A_192 : memref<128xf32, #tpu.memory_space<vmem>>)
      %dma_wait3A_197 = arith.constant 256 : i32
      %dma_wait3A_198 = tpu.memref_slice %arg16[%dma_wait3A_197] : memref<512xf32, #tpu.memory_space<vmem>> -> memref<128xf32, #tpu.memory_space<vmem>>
      %dma_wait3A_199 = arith.constant 256 : i32
      %dma_wait3A_200 = tpu.memref_slice %arg13[%dma_wait3A_199] : memref<512xi32, #tpu.memory_space<vmem>> -> memref<128xi32, #tpu.memory_space<vmem>>
      %dma_wait3A_201 = arith.constant 0 : i32
      %dma_wait3A_202 = tpu.memref_slice %arg5[%dma_wait3A_201] : memref<3000000xf32, #tpu.memory_space<hbm>> -> memref<3000000xf32, #tpu.memory_space<hbm>>
      tpu.wait_indirect_dma semaphore(%arg22 : memref<!tpu.dma_semaphore, #tpu.memory_space<semaphore_mem>>) src(%dma_wait3A_202 : memref<3000000xf32, #tpu.memory_space<hbm>>) dst(%dma_wait3A_198 : memref<128xf32, #tpu.memory_space<vmem>>)
      %dma_wait3A_203 = arith.constant 384 : i32
      %dma_wait3A_204 = tpu.memref_slice %arg16[%dma_wait3A_203] : memref<512xf32, #tpu.memory_space<vmem>> -> memref<128xf32, #tpu.memory_space<vmem>>
      %dma_wait3A_205 = arith.constant 384 : i32
      %dma_wait3A_206 = tpu.memref_slice %arg13[%dma_wait3A_205] : memref<512xi32, #tpu.memory_space<vmem>> -> memref<128xi32, #tpu.memory_space<vmem>>
      %dma_wait3A_207 = arith.constant 0 : i32
      %dma_wait3A_208 = tpu.memref_slice %arg5[%dma_wait3A_207] : memref<3000000xf32, #tpu.memory_space<hbm>> -> memref<3000000xf32, #tpu.memory_space<hbm>>
      tpu.wait_indirect_dma semaphore(%arg22 : memref<!tpu.dma_semaphore, #tpu.memory_space<semaphore_mem>>) src(%dma_wait3A_208 : memref<3000000xf32, #tpu.memory_space<hbm>>) dst(%dma_wait3A_204 : memref<128xf32, #tpu.memory_space<vmem>>)
      %dma_wait3A_209 = arith.constant 0 : i32
      %dma_wait3A_210 = tpu.memref_slice %arg17[%dma_wait3A_209] : memref<512xf32, #tpu.memory_space<vmem>> -> memref<128xf32, #tpu.memory_space<vmem>>
      %dma_wait3A_211 = arith.constant 0 : i32
      %dma_wait3A_212 = tpu.memref_slice %arg14[%dma_wait3A_211] : memref<512xi32, #tpu.memory_space<vmem>> -> memref<128xi32, #tpu.memory_space<vmem>>
      %dma_wait3A_213 = arith.constant 0 : i32
      %dma_wait3A_214 = tpu.memref_slice %arg5[%dma_wait3A_213] : memref<3000000xf32, #tpu.memory_space<hbm>> -> memref<3000000xf32, #tpu.memory_space<hbm>>
      tpu.wait_indirect_dma semaphore(%arg22 : memref<!tpu.dma_semaphore, #tpu.memory_space<semaphore_mem>>) src(%dma_wait3A_214 : memref<3000000xf32, #tpu.memory_space<hbm>>) dst(%dma_wait3A_210 : memref<128xf32, #tpu.memory_space<vmem>>)
      %dma_wait3A_215 = arith.constant 128 : i32
      %dma_wait3A_216 = tpu.memref_slice %arg17[%dma_wait3A_215] : memref<512xf32, #tpu.memory_space<vmem>> -> memref<128xf32, #tpu.memory_space<vmem>>
      %dma_wait3A_217 = arith.constant 128 : i32
      %dma_wait3A_218 = tpu.memref_slice %arg14[%dma_wait3A_217] : memref<512xi32, #tpu.memory_space<vmem>> -> memref<128xi32, #tpu.memory_space<vmem>>
      %dma_wait3A_219 = arith.constant 0 : i32
      %dma_wait3A_220 = tpu.memref_slice %arg5[%dma_wait3A_219] : memref<3000000xf32, #tpu.memory_space<hbm>> -> memref<3000000xf32, #tpu.memory_space<hbm>>
      tpu.wait_indirect_dma semaphore(%arg22 : memref<!tpu.dma_semaphore, #tpu.memory_space<semaphore_mem>>) src(%dma_wait3A_220 : memref<3000000xf32, #tpu.memory_space<hbm>>) dst(%dma_wait3A_216 : memref<128xf32, #tpu.memory_space<vmem>>)
      %dma_wait3A_221 = arith.constant 256 : i32
      %dma_wait3A_222 = tpu.memref_slice %arg17[%dma_wait3A_221] : memref<512xf32, #tpu.memory_space<vmem>> -> memref<128xf32, #tpu.memory_space<vmem>>
      %dma_wait3A_223 = arith.constant 256 : i32
      %dma_wait3A_224 = tpu.memref_slice %arg14[%dma_wait3A_223] : memref<512xi32, #tpu.memory_space<vmem>> -> memref<128xi32, #tpu.memory_space<vmem>>
      %dma_wait3A_225 = arith.constant 0 : i32
      %dma_wait3A_226 = tpu.memref_slice %arg5[%dma_wait3A_225] : memref<3000000xf32, #tpu.memory_space<hbm>> -> memref<3000000xf32, #tpu.memory_space<hbm>>
      tpu.wait_indirect_dma semaphore(%arg22 : memref<!tpu.dma_semaphore, #tpu.memory_space<semaphore_mem>>) src(%dma_wait3A_226 : memref<3000000xf32, #tpu.memory_space<hbm>>) dst(%dma_wait3A_222 : memref<128xf32, #tpu.memory_space<vmem>>)
      %dma_wait3A_227 = arith.constant 384 : i32
      %dma_wait3A_228 = tpu.memref_slice %arg17[%dma_wait3A_227] : memref<512xf32, #tpu.memory_space<vmem>> -> memref<128xf32, #tpu.memory_space<vmem>>
      %dma_wait3A_229 = arith.constant 384 : i32
      %dma_wait3A_230 = tpu.memref_slice %arg14[%dma_wait3A_229] : memref<512xi32, #tpu.memory_space<vmem>> -> memref<128xi32, #tpu.memory_space<vmem>>
      %dma_wait3A_231 = arith.constant 0 : i32
      %dma_wait3A_232 = tpu.memref_slice %arg5[%dma_wait3A_231] : memref<3000000xf32, #tpu.memory_space<hbm>> -> memref<3000000xf32, #tpu.memory_space<hbm>>
      tpu.wait_indirect_dma semaphore(%arg22 : memref<!tpu.dma_semaphore, #tpu.memory_space<semaphore_mem>>) src(%dma_wait3A_232 : memref<3000000xf32, #tpu.memory_space<hbm>>) dst(%dma_wait3A_228 : memref<128xf32, #tpu.memory_space<vmem>>)
      %scan3A_233 = arith.constant 0 : i32
      %scan3A_234 = arith.constant 0 : i32
      %scan3A_235 = arith.constant 32 : i32
      %scan3A_236 = arith.addi %scan3A_234, %scan3A_235 : i32
      %scan3A_237 = arith.constant 1 : i32
      scf.for %scan3A_249 = %scan3A_234 to %scan3A_236 step %scan3A_237  : i32 {
        %mul3A_250 = arith.constant 16 : i32
        %mul3A_251 = arith.muli %scan3A_249, %mul3A_250 : i32
        %sub3A = arith.subi %add3A_11, %min3A_12 : i32
        %mul3A_252 = arith.constant 16 : i32
        %mul3A_253 = arith.muli %scan3A_249, %mul3A_252 : i32
        %add3A_254 = arith.addi %sub3A, %mul3A_253 : i32
        %iota3A = tpu.iota {dimensions = array<i32: 0>} : vector<16xi32>
        %add3A_255 = vector.broadcast %add3A_254 : i32 to vector<16xi32>
        %add3A_256 = arith.addi %add3A_255, %iota3A : vector<16xi32>
        %mul3A_257 = arith.constant 3 : i32
        %mul3A_258 = vector.broadcast %mul3A_257 : i32 to vector<16xi32>
        %mul3A_259 = arith.muli %add3A_256, %mul3A_258 : vector<16xi32>
        %add3A_260 = arith.constant 0 : i32
        %add3A_261 = vector.broadcast %add3A_260 : i32 to vector<16xi32>
        %add3A_262 = arith.addi %mul3A_259, %add3A_261 : vector<16xi32>
        %min3A_263 = arith.constant 1535 : i32
        %min3A_264 = vector.broadcast %min3A_263 : i32 to vector<16xi32>
        %min3A_265 = arith.minsi %add3A_262, %min3A_264 : vector<16xi32>
        %gather3A = tpu.vector_load_idx %arg18[%min3A_265] : memref<1536xf32, #tpu.memory_space<vmem>>[vector<16xi32>], vector<16xf32>,
        %swap3A = arith.index_cast %mul3A_251 : i32 to index
        %swap3A_266 = tpu.vector_load %arg19[%swap3A] {strides = array<i32>} : memref<512xf32, #tpu.memory_space<vmem>>, vector<16xf32>,
        tpu.vector_store %arg19[%swap3A], %gather3A {strides = array<i32>} : memref<512xf32, #tpu.memory_space<vmem>>, vector<16xf32>,
        %mul3A_267 = arith.constant 3 : i32
        %mul3A_268 = vector.broadcast %mul3A_267 : i32 to vector<16xi32>
        %mul3A_269 = arith.muli %add3A_256, %mul3A_268 : vector<16xi32>
        %add3A_270 = arith.constant 1 : i32
        %add3A_271 = vector.broadcast %add3A_270 : i32 to vector<16xi32>
        %add3A_272 = arith.addi %mul3A_269, %add3A_271 : vector<16xi32>
        %min3A_273 = arith.constant 1535 : i32
        %min3A_274 = vector.broadcast %min3A_273 : i32 to vector<16xi32>
        %min3A_275 = arith.minsi %add3A_272, %min3A_274 : vector<16xi32>
        %gather3A_276 = tpu.vector_load_idx %arg18[%min3A_275] : memref<1536xf32, #tpu.memory_space<vmem>>[vector<16xi32>], vector<16xf32>,
        %swap3A_277 = arith.index_cast %mul3A_251 : i32 to index
        %swap3A_278 = tpu.vector_load %arg20[%swap3A_277] {strides = array<i32>} : memref<512xf32, #tpu.memory_space<vmem>>, vector<16xf32>,
        tpu.vector_store %arg20[%swap3A_277], %gather3A_276 {strides = array<i32>} : memref<512xf32, #tpu.memory_space<vmem>>, vector<16xf32>,
        %mul3A_279 = arith.constant 3 : i32
        %mul3A_280 = vector.broadcast %mul3A_279 : i32 to vector<16xi32>
        %mul3A_281 = arith.muli %add3A_256, %mul3A_280 : vector<16xi32>
        %add3A_282 = arith.constant 2 : i32
        %add3A_283 = vector.broadcast %add3A_282 : i32 to vector<16xi32>
        %add3A_284 = arith.addi %mul3A_281, %add3A_283 : vector<16xi32>
        %min3A_285 = arith.constant 1535 : i32
        %min3A_286 = vector.broadcast %min3A_285 : i32 to vector<16xi32>
        %min3A_287 = arith.minsi %add3A_284, %min3A_286 : vector<16xi32>
        %gather3A_288 = tpu.vector_load_idx %arg18[%min3A_287] : memref<1536xf32, #tpu.memory_space<vmem>>[vector<16xi32>], vector<16xf32>,
        %swap3A_289 = arith.index_cast %mul3A_251 : i32 to index
        %swap3A_290 = tpu.vector_load %arg21[%swap3A_289] {strides = array<i32>} : memref<512xf32, #tpu.memory_space<vmem>>, vector<16xf32>,
        tpu.vector_store %arg21[%swap3A_289], %gather3A_288 {strides = array<i32>} : memref<512xf32, #tpu.memory_space<vmem>>, vector<16xf32>,
      }
      %scan3A_238 = arith.constant 32 : i32
      "tpu.region"() ({
        %run_scoped3A = tpu.sem_alloc : memref<!tpu.dma_semaphore, #tpu.memory_space<semaphore_mem>>
        %dma_start3A_249 = tpu.memref_slice %arg7[%add3A_11] : memref<6094848xf32, #tpu.memory_space<hbm>> -> memref<512xf32, #tpu.memory_space<hbm>>
        %dma_start3A_250 = tpu.memref_slice %arg7[%add3A_11] : memref<6094848xf32, #tpu.memory_space<hbm>> -> memref<512xf32, #tpu.memory_space<hbm>>
        tpu.enqueue_dma source(%arg15 : memref<512xf32, #tpu.memory_space<vmem>>) target(%dma_start3A_250 : memref<512xf32, #tpu.memory_space<hbm>>) target_semaphore(%run_scoped3A : memref<!tpu.dma_semaphore, #tpu.memory_space<semaphore_mem>>)
        %dma_wait3A_251 = tpu.memref_slice %arg7[%add3A_11] : memref<6094848xf32, #tpu.memory_space<hbm>> -> memref<512xf32, #tpu.memory_space<hbm>>
        %dma_wait3A_252 = tpu.memref_slice %arg7[%add3A_11] : memref<6094848xf32, #tpu.memory_space<hbm>> -> memref<512xf32, #tpu.memory_space<hbm>>
        tpu.wait_dma2 semaphore(%run_scoped3A : memref<!tpu.dma_semaphore, #tpu.memory_space<semaphore_mem>>) src(%arg15 : memref<512xf32, #tpu.memory_space<vmem>>) dst(%dma_wait3A_252 : memref<512xf32, #tpu.memory_space<hbm>>)
        tpu.yield
      }) : () -> ()
      %add3A_239 = arith.constant 1015808 : i32
      %add3A_240 = arith.addi %add3A_239, %add3A_11 : i32
      "tpu.region"() ({
        %run_scoped3A = tpu.sem_alloc : memref<!tpu.dma_semaphore, #tpu.memory_space<semaphore_mem>>
        %dma_start3A_249 = tpu.memref_slice %arg7[%add3A_240] : memref<6094848xf32, #tpu.memory_space<hbm>> -> memref<512xf32, #tpu.memory_space<hbm>>
        %dma_start3A_250 = tpu.memref_slice %arg7[%add3A_240] : memref<6094848xf32, #tpu.memory_space<hbm>> -> memref<512xf32, #tpu.memory_space<hbm>>
        tpu.enqueue_dma source(%arg16 : memref<512xf32, #tpu.memory_space<vmem>>) target(%dma_start3A_250 : memref<512xf32, #tpu.memory_space<hbm>>) target_semaphore(%run_scoped3A : memref<!tpu.dma_semaphore, #tpu.memory_space<semaphore_mem>>)
        %dma_wait3A_251 = tpu.memref_slice %arg7[%add3A_240] : memref<6094848xf32, #tpu.memory_space<hbm>> -> memref<512xf32, #tpu.memory_space<hbm>>
        %dma_wait3A_252 = tpu.memref_slice %arg7[%add3A_240] : memref<6094848xf32, #tpu.memory_space<hbm>> -> memref<512xf32, #tpu.memory_space<hbm>>
        tpu.wait_dma2 semaphore(%run_scoped3A : memref<!tpu.dma_semaphore, #tpu.memory_space<semaphore_mem>>) src(%arg16 : memref<512xf32, #tpu.memory_space<vmem>>) dst(%dma_wait3A_252 : memref<512xf32, #tpu.memory_space<hbm>>)
        tpu.yield
      }) : () -> ()
      %add3A_241 = arith.constant 2031616 : i32
      %add3A_242 = arith.addi %add3A_241, %add3A_11 : i32
      "tpu.region"() ({
        %run_scoped3A = tpu.sem_alloc : memref<!tpu.dma_semaphore, #tpu.memory_space<semaphore_mem>>
        %dma_start3A_249 = tpu.memref_slice %arg7[%add3A_242] : memref<6094848xf32, #tpu.memory_space<hbm>> -> memref<512xf32, #tpu.memory_space<hbm>>
        %dma_start3A_250 = tpu.memref_slice %arg7[%add3A_242] : memref<6094848xf32, #tpu.memory_space<hbm>> -> memref<512xf32, #tpu.memory_space<hbm>>
        tpu.enqueue_dma source(%arg17 : memref<512xf32, #tpu.memory_space<vmem>>) target(%dma_start3A_250 : memref<512xf32, #tpu.memory_space<hbm>>) target_semaphore(%run_scoped3A : memref<!tpu.dma_semaphore, #tpu.memory_space<semaphore_mem>>)
        %dma_wait3A_251 = tpu.memref_slice %arg7[%add3A_242] : memref<6094848xf32, #tpu.memory_space<hbm>> -> memref<512xf32, #tpu.memory_space<hbm>>
        %dma_wait3A_252 = tpu.memref_slice %arg7[%add3A_242] : memref<6094848xf32, #tpu.memory_space<hbm>> -> memref<512xf32, #tpu.memory_space<hbm>>
        tpu.wait_dma2 semaphore(%run_scoped3A : memref<!tpu.dma_semaphore, #tpu.memory_space<semaphore_mem>>) src(%arg17 : memref<512xf32, #tpu.memory_space<vmem>>) dst(%dma_wait3A_252 : memref<512xf32, #tpu.memory_space<hbm>>)
        tpu.yield
      }) : () -> ()
      %add3A_243 = arith.constant 3047424 : i32
      %add3A_244 = arith.addi %add3A_243, %add3A_11 : i32
      "tpu.region"() ({
        %run_scoped3A = tpu.sem_alloc : memref<!tpu.dma_semaphore, #tpu.memory_space<semaphore_mem>>
        %dma_start3A_249 = tpu.memref_slice %arg7[%add3A_244] : memref<6094848xf32, #tpu.memory_space<hbm>> -> memref<512xf32, #tpu.memory_space<hbm>>
        %dma_start3A_250 = tpu.memref_slice %arg7[%add3A_244] : memref<6094848xf32, #tpu.memory_space<hbm>> -> memref<512xf32, #tpu.memory_space<hbm>>
        tpu.enqueue_dma source(%arg19 : memref<512xf32, #tpu.memory_space<vmem>>) target(%dma_start3A_250 : memref<512xf32, #tpu.memory_space<hbm>>) target_semaphore(%run_scoped3A : memref<!tpu.dma_semaphore, #tpu.memory_space<semaphore_mem>>)
        %dma_wait3A_251 = tpu.memref_slice %arg7[%add3A_244] : memref<6094848xf32, #tpu.memory_space<hbm>> -> memref<512xf32, #tpu.memory_space<hbm>>
        %dma_wait3A_252 = tpu.memref_slice %arg7[%add3A_244] : memref<6094848xf32, #tpu.memory_space<hbm>> -> memref<512xf32, #tpu.memory_space<hbm>>
        tpu.wait_dma2 semaphore(%run_scoped3A : memref<!tpu.dma_semaphore, #tpu.memory_space<semaphore_mem>>) src(%arg19 : memref<512xf32, #tpu.memory_space<vmem>>) dst(%dma_wait3A_252 : memref<512xf32, #tpu.memory_space<hbm>>)
        tpu.yield
      }) : () -> ()
      %add3A_245 = arith.constant 4063232 : i32
      %add3A_246 = arith.addi %add3A_245, %add3A_11 : i32
      "tpu.region"() ({
        %run_scoped3A = tpu.sem_alloc : memref<!tpu.dma_semaphore, #tpu.memory_space<semaphore_mem>>
        %dma_start3A_249 = tpu.memref_slice %arg7[%add3A_246] : memref<6094848xf32, #tpu.memory_space<hbm>> -> memref<512xf32, #tpu.memory_space<hbm>>
        %dma_start3A_250 = tpu.memref_slice %arg7[%add3A_246] : memref<6094848xf32, #tpu.memory_space<hbm>> -> memref<512xf32, #tpu.memory_space<hbm>>
        tpu.enqueue_dma source(%arg20 : memref<512xf32, #tpu.memory_space<vmem>>) target(%dma_start3A_250 : memref<512xf32, #tpu.memory_space<hbm>>) target_semaphore(%run_scoped3A : memref<!tpu.dma_semaphore, #tpu.memory_space<semaphore_mem>>)
        %dma_wait3A_251 = tpu.memref_slice %arg7[%add3A_246] : memref<6094848xf32, #tpu.memory_space<hbm>> -> memref<512xf32, #tpu.memory_space<hbm>>
        %dma_wait3A_252 = tpu.memref_slice %arg7[%add3A_246] : memref<6094848xf32, #tpu.memory_space<hbm>> -> memref<512xf32, #tpu.memory_space<hbm>>
        tpu.wait_dma2 semaphore(%run_scoped3A : memref<!tpu.dma_semaphore, #tpu.memory_space<semaphore_mem>>) src(%arg20 : memref<512xf32, #tpu.memory_space<vmem>>) dst(%dma_wait3A_252 : memref<512xf32, #tpu.memory_space<hbm>>)
        tpu.yield
      }) : () -> ()
      %add3A_247 = arith.constant 5079040 : i32
      %add3A_248 = arith.addi %add3A_247, %add3A_11 : i32
      "tpu.region"() ({
        %run_scoped3A = tpu.sem_alloc : memref<!tpu.dma_semaphore, #tpu.memory_space<semaphore_mem>>
        %dma_start3A_249 = tpu.memref_slice %arg7[%add3A_248] : memref<6094848xf32, #tpu.memory_space<hbm>> -> memref<512xf32, #tpu.memory_space<hbm>>
        %dma_start3A_250 = tpu.memref_slice %arg7[%add3A_248] : memref<6094848xf32, #tpu.memory_space<hbm>> -> memref<512xf32, #tpu.memory_space<hbm>>
        tpu.enqueue_dma source(%arg21 : memref<512xf32, #tpu.memory_space<vmem>>) target(%dma_start3A_250 : memref<512xf32, #tpu.memory_space<hbm>>) target_semaphore(%run_scoped3A : memref<!tpu.dma_semaphore, #tpu.memory_space<semaphore_mem>>)
        %dma_wait3A_251 = tpu.memref_slice %arg7[%add3A_248] : memref<6094848xf32, #tpu.memory_space<hbm>> -> memref<512xf32, #tpu.memory_space<hbm>>
        %dma_wait3A_252 = tpu.memref_slice %arg7[%add3A_248] : memref<6094848xf32, #tpu.memory_space<hbm>> -> memref<512xf32, #tpu.memory_space<hbm>>
        tpu.wait_dma2 semaphore(%run_scoped3A : memref<!tpu.dma_semaphore, #tpu.memory_space<semaphore_mem>>) src(%arg21 : memref<512xf32, #tpu.memory_space<vmem>>) dst(%dma_wait3A_252 : memref<512xf32, #tpu.memory_space<hbm>>)
        tpu.yield
      }) : () -> ()
    }
    %scan3A_7 = arith.constant 62 : i32
    return
  }
}

module attributes {stable_mosaic.version = 14 : i64} {
  func.func @_tc_loss_body(%arg0: i32, %arg1: memref<1x3x16384xf32, #tpu.memory_space<vmem>>, %arg2: memref<1x3x16384xf32, #tpu.memory_space<vmem>>, %arg3: memref<16x1xf32, #tpu.memory_space<vmem>>, %arg4: memref<16x1xf32, #tpu.memory_space<vmem>>, %arg5: memref<16x1xf32, #tpu.memory_space<vmem>>, %arg6: memref<3x1xf32, #tpu.memory_space<vmem>>, %arg7: memref<2x1xf32, #tpu.memory_space<vmem>>, %arg8: memref<1x1xf32, #tpu.memory_space<vmem>>, %arg9: memref<16x1xf32, #tpu.memory_space<vmem>>, %arg10: memref<16x1xf32, #tpu.memory_space<vmem>>, %arg11: memref<1x1xf32, #tpu.memory_space<vmem>>, %arg12: memref<1x1xf32, #tpu.memory_space<vmem>>) attributes {dimension_semantics = [#tpu.dimension_semantics<arbitrary>], iteration_bounds = array<i64: 62>, scalar_prefetch = 0 : i64, scratch_operands = 4 : i64, tpu.core_type = #tpu.core_type<tc>, window_params = [{transform_indices = @transform_0, window_bounds = array<i64: 1, 3, 16384>}, {transform_indices = @transform_1, window_bounds = array<i64: 1, 3, 16384>}, {pipeline_mode = #tpu.pipeline_mode<synchronous>, transform_indices = @transform_2, window_bounds = array<i64: 16, 1>}, {pipeline_mode = #tpu.pipeline_mode<synchronous>, transform_indices = @transform_3, window_bounds = array<i64: 16, 1>}, {pipeline_mode = #tpu.pipeline_mode<synchronous>, transform_indices = @transform_4, window_bounds = array<i64: 16, 1>}, {pipeline_mode = #tpu.pipeline_mode<synchronous>, transform_indices = @transform_5, window_bounds = array<i64: 3, 1>}, {pipeline_mode = #tpu.pipeline_mode<synchronous>, transform_indices = @transform_6, window_bounds = array<i64: 2, 1>}, {pipeline_mode = #tpu.pipeline_mode<synchronous>, transform_indices = @transform_7, window_bounds = array<i64: 1, 1>}]} {
    %eq3A = arith.constant 0 : i32
    %eq3A_0 = arith.cmpi eq, %arg0, %eq3A : i32
    %convert_element_type3A = arith.extui %eq3A_0 : i1 to i32
    %cond3A = arith.constant 0 : i32
    %cond3A_1 = arith.cmpi ne, %convert_element_type3A, %cond3A : i32
    scf.if %cond3A_1 {
      %broadcast_in_dim3A_187 = arith.constant -1.000000e+30 : f32
      %broadcast_in_dim3A_188 = vector.broadcast %broadcast_in_dim3A_187 : f32 to vector<16x1xf32>
      %swap3A_189 = arith.constant 0 : index
      %swap3A_190 = arith.constant 0 : index
      %swap3A_191 = vector.load %arg9[%swap3A_189, %swap3A_190] : memref<16x1xf32, #tpu.memory_space<vmem>>, vector<16x1xf32>
      tpu.vector_store %arg9[%swap3A_189, %swap3A_190], %broadcast_in_dim3A_188 {strides = array<i32>} : memref<16x1xf32, #tpu.memory_space<vmem>>, vector<16x1xf32>,
      %broadcast_in_dim3A_192 = arith.constant 0.000000e+00 : f32
      %broadcast_in_dim3A_193 = vector.broadcast %broadcast_in_dim3A_192 : f32 to vector<16x1xf32>
      %swap3A_194 = arith.constant 0 : index
      %swap3A_195 = arith.constant 0 : index
      %swap3A_196 = vector.load %arg10[%swap3A_194, %swap3A_195] : memref<16x1xf32, #tpu.memory_space<vmem>>, vector<16x1xf32>
      tpu.vector_store %arg10[%swap3A_194, %swap3A_195], %broadcast_in_dim3A_193 {strides = array<i32>} : memref<16x1xf32, #tpu.memory_space<vmem>>, vector<16x1xf32>,
      %broadcast_in_dim3A_197 = arith.constant -1.000000e+30 : f32
      %broadcast_in_dim3A_198 = vector.broadcast %broadcast_in_dim3A_197 : f32 to vector<1x1xf32>
      %swap3A_199 = arith.constant 0 : index
      %swap3A_200 = arith.constant 0 : index
      %swap3A_201 = vector.load %arg11[%swap3A_199, %swap3A_200] : memref<1x1xf32, #tpu.memory_space<vmem>>, vector<1x1xf32>
      tpu.vector_store %arg11[%swap3A_199, %swap3A_200], %broadcast_in_dim3A_198 {strides = array<i32>} : memref<1x1xf32, #tpu.memory_space<vmem>>, vector<1x1xf32>,
      %broadcast_in_dim3A_202 = arith.constant 0.000000e+00 : f32
      %broadcast_in_dim3A_203 = vector.broadcast %broadcast_in_dim3A_202 : f32 to vector<1x1xf32>
      %swap3A_204 = arith.constant 0 : index
      %swap3A_205 = arith.constant 0 : index
      %swap3A_206 = vector.load %arg12[%swap3A_204, %swap3A_205] : memref<1x1xf32, #tpu.memory_space<vmem>>, vector<1x1xf32>
      tpu.vector_store %arg12[%swap3A_204, %swap3A_205], %broadcast_in_dim3A_203 {strides = array<i32>} : memref<1x1xf32, #tpu.memory_space<vmem>>, vector<1x1xf32>,
    } else {
    }
    %get3A = arith.constant 0 : index
    %get3A_2 = arith.constant 0 : index
    %get3A_3 = vector.load %arg7[%get3A, %get3A_2] : memref<2x1xf32, #tpu.memory_space<vmem>>, vector<1x1xf32>
    %get3A_4 = arith.constant 1 : index
    %get3A_5 = arith.constant 0 : index
    %get3A_6 = vector.load %arg7[%get3A_4, %get3A_5] : memref<2x1xf32, #tpu.memory_space<vmem>>, vector<1x1xf32>
    %iota3A = tpu.iota {dimensions = array<i32: 1>} : vector<1x16384xi32>
    %mul3A = arith.constant 16384 : i32
    %mul3A_7 = arith.muli %arg0, %mul3A : i32
    %add3A = vector.broadcast %mul3A_7 : i32 to vector<1x16384xi32>
    %add3A_8 = arith.addi %iota3A, %add3A : vector<1x16384xi32>
    %lt3A = arith.constant 1000000 : i32
    %lt3A_9 = vector.broadcast %lt3A : i32 to vector<1x16384xi32>
    %lt3A_10 = arith.cmpi slt, %add3A_8, %lt3A_9 : vector<1x16384xi32>
    %get3A_11 = arith.constant 0 : index
    %get3A_12 = arith.constant 0 : index
    %get3A_13 = arith.constant 0 : index
    %get3A_14 = vector.load %arg1[%get3A_11, %get3A_12, %get3A_13] : memref<1x3x16384xf32, #tpu.memory_space<vmem>>, vector<1x3x16384xf32>
    %get3A_15 = vector.shape_cast %get3A_14 : vector<1x3x16384xf32> to vector<3x16384xf32>
    %get3A_16 = arith.constant 0 : index
    %get3A_17 = arith.constant 0 : index
    %get3A_18 = arith.constant 0 : index
    %get3A_19 = vector.load %arg2[%get3A_16, %get3A_17, %get3A_18] : memref<1x3x16384xf32, #tpu.memory_space<vmem>>, vector<1x3x16384xf32>
    %get3A_20 = vector.shape_cast %get3A_19 : vector<1x3x16384xf32> to vector<3x16384xf32>
    %get3A_21 = arith.constant 0 : index
    %get3A_22 = arith.constant 0 : index
    %get3A_23 = vector.load %arg6[%get3A_21, %get3A_22] : memref<3x1xf32, #tpu.memory_space<vmem>>, vector<3x1xf32>
    %mul3A_24 = vector.broadcast %get3A_3 : vector<1x1xf32> to vector<3x1xf32>
    %mul3A_25 = arith.mulf %get3A_23, %mul3A_24 : vector<3x1xf32>
    %mul3A_26 = vector.broadcast %mul3A_25 : vector<3x1xf32> to vector<3x16384xf32>
    %mul3A_27 = arith.mulf %get3A_20, %mul3A_26 : vector<3x16384xf32>
    %add3A_28 = arith.addf %get3A_15, %mul3A_27 : vector<3x16384xf32>
    %slice3A = vector.extract_strided_slice %add3A_28 {offsets = [0, 0], sizes = [1, 16384], strides = [1, 1]} : vector<3x16384xf32> to vector<1x16384xf32>
    %max3A = arith.constant 0.000000e+00 : f32
    %max3A_29 = vector.broadcast %max3A : f32 to vector<1x16384xf32>
    %max3A_30 = arith.maximumf %slice3A, %max3A_29 : vector<1x16384xf32>
    %abs3A = math.absf %slice3A : vector<1x16384xf32>
    %neg3A = arith.constant 0.000000e+00 : f32
    %neg3A_31 = vector.broadcast %neg3A : f32 to vector<1x16384xf32>
    %neg3A_32 = arith.subf %neg3A_31, %abs3A : vector<1x16384xf32>
    %exp3A = math.exp %neg3A_32 : vector<1x16384xf32>
    %log1p3A = math.log1p %exp3A : vector<1x16384xf32>
    %add3A_33 = arith.addf %max3A_30, %log1p3A : vector<1x16384xf32>
    %slice3A_34 = vector.extract_strided_slice %add3A_28 {offsets = [1, 0], sizes = [1, 16384], strides = [1, 1]} : vector<3x16384xf32> to vector<1x16384xf32>
    %max3A_35 = arith.constant 0.000000e+00 : f32
    %max3A_36 = vector.broadcast %max3A_35 : f32 to vector<1x16384xf32>
    %max3A_37 = arith.maximumf %slice3A_34, %max3A_36 : vector<1x16384xf32>
    %abs3A_38 = math.absf %slice3A_34 : vector<1x16384xf32>
    %neg3A_39 = arith.constant 0.000000e+00 : f32
    %neg3A_40 = vector.broadcast %neg3A_39 : f32 to vector<1x16384xf32>
    %neg3A_41 = arith.subf %neg3A_40, %abs3A_38 : vector<1x16384xf32>
    %exp3A_42 = math.exp %neg3A_41 : vector<1x16384xf32>
    %log1p3A_43 = math.log1p %exp3A_42 : vector<1x16384xf32>
    %add3A_44 = arith.addf %max3A_37, %log1p3A_43 : vector<1x16384xf32>
    %slice3A_45 = vector.extract_strided_slice %add3A_28 {offsets = [2, 0], sizes = [1, 16384], strides = [1, 1]} : vector<3x16384xf32> to vector<1x16384xf32>
    %max3A_46 = arith.constant 0.000000e+00 : f32
    %max3A_47 = vector.broadcast %max3A_46 : f32 to vector<1x16384xf32>
    %max3A_48 = arith.maximumf %slice3A_45, %max3A_47 : vector<1x16384xf32>
    %abs3A_49 = math.absf %slice3A_45 : vector<1x16384xf32>
    %neg3A_50 = arith.constant 0.000000e+00 : f32
    %neg3A_51 = vector.broadcast %neg3A_50 : f32 to vector<1x16384xf32>
    %neg3A_52 = arith.subf %neg3A_51, %abs3A_49 : vector<1x16384xf32>
    %exp3A_53 = math.exp %neg3A_52 : vector<1x16384xf32>
    %log1p3A_54 = math.log1p %exp3A_53 : vector<1x16384xf32>
    %add3A_55 = arith.addf %max3A_48, %log1p3A_54 : vector<1x16384xf32>
    %add3A_56 = arith.constant 1.000000e-03 : f32
    %add3A_57 = vector.broadcast %add3A_56 : f32 to vector<1x16384xf32>
    %add3A_58 = arith.addf %add3A_55, %add3A_57 : vector<1x16384xf32>
    %div3A = arith.constant 1.000000e+00 : f32
    %div3A_59 = vector.broadcast %div3A : f32 to vector<1x16384xf32>
    %div3A_60 = arith.divf %div3A_59, %add3A_58 : vector<1x16384xf32>
    %log3A = math.log %add3A_58 : vector<1x16384xf32>
    %get3A_61 = arith.constant 0 : index
    %get3A_62 = arith.constant 0 : index
    %get3A_63 = vector.load %arg3[%get3A_61, %get3A_62] : memref<16x1xf32, #tpu.memory_space<vmem>>, vector<16x1xf32>
    %get3A_64 = arith.constant 0 : index
    %get3A_65 = arith.constant 0 : index
    %get3A_66 = vector.load %arg4[%get3A_64, %get3A_65] : memref<16x1xf32, #tpu.memory_space<vmem>>, vector<16x1xf32>
    %mul3A_67 = vector.broadcast %add3A_44 : vector<1x16384xf32> to vector<16x16384xf32>
    %mul3A_68 = vector.broadcast %get3A_66 : vector<16x1xf32> to vector<16x16384xf32>
    %mul3A_69 = arith.mulf %mul3A_67, %mul3A_68 : vector<16x16384xf32>
    %add3A_70 = vector.broadcast %add3A_33 : vector<1x16384xf32> to vector<16x16384xf32>
    %add3A_71 = arith.addf %add3A_70, %mul3A_69 : vector<16x16384xf32>
    %sub3A = vector.broadcast %get3A_63 : vector<16x1xf32> to vector<16x16384xf32>
    %sub3A_72 = arith.subf %sub3A, %add3A_71 : vector<16x16384xf32>
    %mul3A_73 = vector.broadcast %div3A_60 : vector<1x16384xf32> to vector<16x16384xf32>
    %mul3A_74 = arith.mulf %sub3A_72, %mul3A_73 : vector<16x16384xf32>
    %mul3A_75 = arith.mulf %mul3A_74, %mul3A_74 : vector<16x16384xf32>
    %reduce_sum3A = arith.constant dense<0.000000e+00> : vector<16384xf32>
    %reduce_sum3A_76 = vector.multi_reduction <add>, %mul3A_75, %reduce_sum3A [0] : vector<16x16384xf32> to vector<16384xf32>
    %broadcast_in_dim3A = vector.shape_cast %reduce_sum3A_76 : vector<16384xf32> to vector<1x16384xf32>
    %div3A_77 = arith.constant 1.600000e+01 : f32
    %div3A_78 = vector.broadcast %div3A_77 : f32 to vector<1x16384xf32>
    %div3A_79 = arith.divf %broadcast_in_dim3A, %div3A_78 : vector<1x16384xf32>
    %mul3A_80 = arith.constant -5.000000e-01 : f32
    %mul3A_81 = vector.broadcast %mul3A_80 : f32 to vector<1x16384xf32>
    %mul3A_82 = arith.mulf %mul3A_81, %div3A_79 : vector<1x16384xf32>
    %sub3A_83 = arith.subf %mul3A_82, %log3A : vector<1x16384xf32>
    %sub3A_84 = arith.constant 0.918938517 : f32
    %sub3A_85 = vector.broadcast %sub3A_84 : f32 to vector<1x16384xf32>
    %sub3A_86 = arith.subf %sub3A_83, %sub3A_85 : vector<1x16384xf32>
    %mul3A_87 = vector.broadcast %get3A_6 : vector<1x1xf32> to vector<1x16384xf32>
    %mul3A_88 = arith.mulf %mul3A_87, %sub3A_86 : vector<1x16384xf32>
    %jit3A = arith.constant 0xFF800000 : f32
    %broadcast_in_dim3A_89 = vector.broadcast %jit3A : f32 to vector<1x16384xf32>
    %select_n3A = arith.select %lt3A_10, %mul3A_88, %broadcast_in_dim3A_89 : vector<1x16384xi1>, vector<1x16384xf32>
    %reduce_max3A = vector.shape_cast %select_n3A : vector<1x16384xf32> to vector<1x1x16384xf32>
    %reduce_max3A_90 = arith.constant dense<0xFF800000> : vector<1xf32>
    %reduce_max3A_91 = vector.multi_reduction <maximumf>, %reduce_max3A, %reduce_max3A_90 [1, 2] : vector<1x1x16384xf32> to vector<1xf32>
    %reduce_max3A_92 = vector.shape_cast %reduce_max3A_91 : vector<1xf32> to vector<1x1x1xf32>
    %reduce_max3A_93 = vector.extract %reduce_max3A_92[0, 0, 0] : f32 from vector<1x1x1xf32>
    %broadcast_in_dim3A_94 = vector.broadcast %reduce_max3A_93 : f32 to vector<1x1xf32>
    %max3A_95 = arith.constant -1.000000e+30 : f32
    %max3A_96 = vector.broadcast %max3A_95 : f32 to vector<1x1xf32>
    %max3A_97 = arith.maximumf %broadcast_in_dim3A_94, %max3A_96 : vector<1x1xf32>
    %sub3A_98 = vector.broadcast %max3A_97 : vector<1x1xf32> to vector<1x16384xf32>
    %sub3A_99 = arith.subf %select_n3A, %sub3A_98 : vector<1x16384xf32>
    %exp3A_100 = math.exp %sub3A_99 : vector<1x16384xf32>
    %reduce_sum3A_101 = vector.shape_cast %exp3A_100 : vector<1x16384xf32> to vector<1x1x16384xf32>
    %reduce_sum3A_102 = arith.constant dense<0.000000e+00> : vector<1xf32>
    %reduce_sum3A_103 = vector.multi_reduction <add>, %reduce_sum3A_101, %reduce_sum3A_102 [1, 2] : vector<1x1x16384xf32> to vector<1xf32>
    %reduce_sum3A_104 = vector.shape_cast %reduce_sum3A_103 : vector<1xf32> to vector<1x1x1xf32>
    %reduce_sum3A_105 = vector.extract %reduce_sum3A_104[0, 0, 0] : f32 from vector<1x1x1xf32>
    %broadcast_in_dim3A_106 = vector.broadcast %reduce_sum3A_105 : f32 to vector<1x1xf32>
    %get3A_107 = arith.constant 0 : index
    %get3A_108 = arith.constant 0 : index
    %get3A_109 = vector.load %arg11[%get3A_107, %get3A_108] : memref<1x1xf32, #tpu.memory_space<vmem>>, vector<1x1xf32>
    %max3A_110 = arith.maximumf %get3A_109, %max3A_97 : vector<1x1xf32>
    %get3A_111 = arith.constant 0 : index
    %get3A_112 = arith.constant 0 : index
    %get3A_113 = vector.load %arg12[%get3A_111, %get3A_112] : memref<1x1xf32, #tpu.memory_space<vmem>>, vector<1x1xf32>
    %sub3A_114 = arith.subf %get3A_109, %max3A_110 : vector<1x1xf32>
    %exp3A_115 = math.exp %sub3A_114 : vector<1x1xf32>
    %mul3A_116 = arith.mulf %get3A_113, %exp3A_115 : vector<1x1xf32>
    %sub3A_117 = arith.subf %max3A_97, %max3A_110 : vector<1x1xf32>
    %exp3A_118 = math.exp %sub3A_117 : vector<1x1xf32>
    %mul3A_119 = arith.mulf %broadcast_in_dim3A_106, %exp3A_118 : vector<1x1xf32>
    %add3A_120 = arith.addf %mul3A_116, %mul3A_119 : vector<1x1xf32>
    %swap3A = arith.constant 0 : index
    %swap3A_121 = arith.constant 0 : index
    %swap3A_122 = vector.load %arg12[%swap3A, %swap3A_121] : memref<1x1xf32, #tpu.memory_space<vmem>>, vector<1x1xf32>
    tpu.vector_store %arg12[%swap3A, %swap3A_121], %add3A_120 {strides = array<i32>} : memref<1x1xf32, #tpu.memory_space<vmem>>, vector<1x1xf32>,
    %swap3A_123 = arith.constant 0 : index
    %swap3A_124 = arith.constant 0 : index
    %swap3A_125 = vector.load %arg11[%swap3A_123, %swap3A_124] : memref<1x1xf32, #tpu.memory_space<vmem>>, vector<1x1xf32>
    tpu.vector_store %arg11[%swap3A_123, %swap3A_124], %max3A_110 {strides = array<i32>} : memref<1x1xf32, #tpu.memory_space<vmem>>, vector<1x1xf32>,
    %get3A_126 = arith.constant 0 : index
    %get3A_127 = arith.constant 0 : index
    %get3A_128 = vector.load %arg5[%get3A_126, %get3A_127] : memref<16x1xf32, #tpu.memory_space<vmem>>, vector<16x1xf32>
    %sub3A_129 = vector.broadcast %get3A_128 : vector<16x1xf32> to vector<16x16384xf32>
    %sub3A_130 = vector.broadcast %add3A_33 : vector<1x16384xf32> to vector<16x16384xf32>
    %sub3A_131 = arith.subf %sub3A_129, %sub3A_130 : vector<16x16384xf32>
    %mul3A_132 = vector.broadcast %div3A_60 : vector<1x16384xf32> to vector<16x16384xf32>
    %mul3A_133 = arith.mulf %sub3A_131, %mul3A_132 : vector<16x16384xf32>
    %mul3A_134 = arith.constant -5.000000e-01 : f32
    %mul3A_135 = vector.broadcast %mul3A_134 : f32 to vector<16x16384xf32>
    %mul3A_136 = arith.mulf %mul3A_135, %mul3A_133 : vector<16x16384xf32>
    %mul3A_137 = arith.mulf %mul3A_136, %mul3A_133 : vector<16x16384xf32>
    %sub3A_138 = vector.broadcast %log3A : vector<1x16384xf32> to vector<16x16384xf32>
    %sub3A_139 = arith.subf %mul3A_137, %sub3A_138 : vector<16x16384xf32>
    %sub3A_140 = arith.constant 0.918938517 : f32
    %sub3A_141 = vector.broadcast %sub3A_140 : f32 to vector<16x16384xf32>
    %sub3A_142 = arith.subf %sub3A_139, %sub3A_141 : vector<16x16384xf32>
    %add3A_143 = vector.broadcast %mul3A_88 : vector<1x16384xf32> to vector<16x16384xf32>
    %add3A_144 = arith.addf %add3A_143, %sub3A_142 : vector<16x16384xf32>
    %jit3A_145 = arith.constant 0xFF800000 : f32
    %broadcast_in_dim3A_146 = vector.shape_cast %lt3A_10 : vector<1x16384xi1> to vector<1x16384xi1>
    %broadcast_in_dim3A_147 = vector.broadcast %broadcast_in_dim3A_146 : vector<1x16384xi1> to vector<16x16384xi1>
    %broadcast_in_dim3A_148 = vector.broadcast %jit3A_145 : f32 to vector<16x16384xf32>
    %select_n3A_149 = arith.select %broadcast_in_dim3A_147, %add3A_144, %broadcast_in_dim3A_148 : vector<16x16384xi1>, vector<16x16384xf32>
    %reduce_max3A_150 = arith.constant dense<0xFF800000> : vector<16xf32>
    %reduce_max3A_151 = vector.multi_reduction <maximumf>, %select_n3A_149, %reduce_max3A_150 [1] : vector<16x16384xf32> to vector<16xf32>
    %broadcast_in_dim3A_152 = vector.shape_cast %reduce_max3A_151 : vector<16xf32> to vector<16x1xf32>
    %max3A_153 = arith.constant -1.000000e+30 : f32
    %max3A_154 = vector.broadcast %max3A_153 : f32 to vector<16x1xf32>
    %max3A_155 = arith.maximumf %broadcast_in_dim3A_152, %max3A_154 : vector<16x1xf32>
    %sub3A_156 = vector.broadcast %max3A_155 : vector<16x1xf32> to vector<16x16384xf32>
    %sub3A_157 = arith.subf %select_n3A_149, %sub3A_156 : vector<16x16384xf32>
    %exp3A_158 = math.exp %sub3A_157 : vector<16x16384xf32>
    %reduce_sum3A_159 = arith.constant dense<0.000000e+00> : vector<16xf32>
    %reduce_sum3A_160 = vector.multi_reduction <add>, %exp3A_158, %reduce_sum3A_159 [1] : vector<16x16384xf32> to vector<16xf32>
    %broadcast_in_dim3A_161 = vector.shape_cast %reduce_sum3A_160 : vector<16xf32> to vector<16x1xf32>
    %get3A_162 = arith.constant 0 : index
    %get3A_163 = arith.constant 0 : index
    %get3A_164 = vector.load %arg9[%get3A_162, %get3A_163] : memref<16x1xf32, #tpu.memory_space<vmem>>, vector<16x1xf32>
    %max3A_165 = arith.maximumf %get3A_164, %max3A_155 : vector<16x1xf32>
    %get3A_166 = arith.constant 0 : index
    %get3A_167 = arith.constant 0 : index
    %get3A_168 = vector.load %arg10[%get3A_166, %get3A_167] : memref<16x1xf32, #tpu.memory_space<vmem>>, vector<16x1xf32>
    %sub3A_169 = arith.subf %get3A_164, %max3A_165 : vector<16x1xf32>
    %exp3A_170 = math.exp %sub3A_169 : vector<16x1xf32>
    %mul3A_171 = arith.mulf %get3A_168, %exp3A_170 : vector<16x1xf32>
    %sub3A_172 = arith.subf %max3A_155, %max3A_165 : vector<16x1xf32>
    %exp3A_173 = math.exp %sub3A_172 : vector<16x1xf32>
    %mul3A_174 = arith.mulf %broadcast_in_dim3A_161, %exp3A_173 : vector<16x1xf32>
    %add3A_175 = arith.addf %mul3A_171, %mul3A_174 : vector<16x1xf32>
    %swap3A_176 = arith.constant 0 : index
    %swap3A_177 = arith.constant 0 : index
    %swap3A_178 = vector.load %arg10[%swap3A_176, %swap3A_177] : memref<16x1xf32, #tpu.memory_space<vmem>>, vector<16x1xf32>
    tpu.vector_store %arg10[%swap3A_176, %swap3A_177], %add3A_175 {strides = array<i32>} : memref<16x1xf32, #tpu.memory_space<vmem>>, vector<16x1xf32>,
    %swap3A_179 = arith.constant 0 : index
    %swap3A_180 = arith.constant 0 : index
    %swap3A_181 = vector.load %arg9[%swap3A_179, %swap3A_180] : memref<16x1xf32, #tpu.memory_space<vmem>>, vector<16x1xf32>
    tpu.vector_store %arg9[%swap3A_179, %swap3A_180], %max3A_165 {strides = array<i32>} : memref<16x1xf32, #tpu.memory_space<vmem>>, vector<16x1xf32>,
    %eq3A_182 = arith.constant 61 : i32
    %eq3A_183 = arith.cmpi eq, %arg0, %eq3A_182 : i32
    %convert_element_type3A_184 = arith.extui %eq3A_183 : i1 to i32
    %cond3A_185 = arith.constant 0 : i32
    %cond3A_186 = arith.cmpi ne, %convert_element_type3A_184, %cond3A_185 : i32
    scf.if %cond3A_186 {
      %get3A_187 = arith.constant 0 : index
      %get3A_188 = arith.constant 0 : index
      %get3A_189 = vector.load %arg9[%get3A_187, %get3A_188] : memref<16x1xf32, #tpu.memory_space<vmem>>, vector<16x1xf32>
      %get3A_190 = arith.constant 0 : index
      %get3A_191 = arith.constant 0 : index
      %get3A_192 = vector.load %arg10[%get3A_190, %get3A_191] : memref<16x1xf32, #tpu.memory_space<vmem>>, vector<16x1xf32>
      %log3A_193 = math.log %get3A_192 : vector<16x1xf32>
      %add3A_194 = arith.addf %get3A_189, %log3A_193 : vector<16x1xf32>
      %get3A_195 = arith.constant 0 : index
      %get3A_196 = arith.constant 0 : index
      %get3A_197 = vector.load %arg11[%get3A_195, %get3A_196] : memref<1x1xf32, #tpu.memory_space<vmem>>, vector<1x1xf32>
      %get3A_198 = arith.constant 0 : index
      %get3A_199 = arith.constant 0 : index
      %get3A_200 = vector.load %arg12[%get3A_198, %get3A_199] : memref<1x1xf32, #tpu.memory_space<vmem>>, vector<1x1xf32>
      %log3A_201 = math.log %get3A_200 : vector<1x1xf32>
      %add3A_202 = arith.addf %get3A_197, %log3A_201 : vector<1x1xf32>
      %reduce_sum3A_203 = arith.constant dense<0.000000e+00> : vector<1xf32>
      %reduce_sum3A_204 = vector.multi_reduction <add>, %add3A_194, %reduce_sum3A_203 [0] : vector<16x1xf32> to vector<1xf32>
      %broadcast_in_dim3A_205 = vector.shape_cast %reduce_sum3A_204 : vector<1xf32> to vector<1x1xf32>
      %div3A_206 = arith.constant 1.600000e+01 : f32
      %div3A_207 = vector.broadcast %div3A_206 : f32 to vector<1x1xf32>
      %div3A_208 = arith.divf %broadcast_in_dim3A_205, %div3A_207 : vector<1x1xf32>
      %neg3A_209 = arith.constant 0.000000e+00 : f32
      %neg3A_210 = vector.broadcast %neg3A_209 : f32 to vector<1x1xf32>
      %neg3A_211 = arith.subf %neg3A_210, %div3A_208 : vector<1x1xf32>
      %add3A_212 = arith.addf %neg3A_211, %add3A_202 : vector<1x1xf32>
      %swap3A_213 = arith.constant 0 : index
      %swap3A_214 = arith.constant 0 : index
      %swap3A_215 = vector.load %arg8[%swap3A_213, %swap3A_214] : memref<1x1xf32, #tpu.memory_space<vmem>>, vector<1x1xf32>
      tpu.vector_store %arg8[%swap3A_213, %swap3A_214], %add3A_212 {strides = array<i32>} : memref<1x1xf32, #tpu.memory_space<vmem>>, vector<1x1xf32>,
    } else {
    }
    return
  }
  func.func @transform_0(%arg0: i32) -> (i32, i32, i32) {
    %c0_i32 = arith.constant 0 : i32
    %c0_i32_0 = arith.constant 0 : i32
    %c0_i32_1 = arith.constant 0 : i32
    return %c0_i32, %c0_i32_0, %arg0 : i32, i32, i32
  }
  func.func @transform_1(%arg0: i32) -> (i32, i32, i32) {
    %c1_i32 = arith.constant 1 : i32
    %c0_i32 = arith.constant 0 : i32
    %c0_i32_0 = arith.constant 0 : i32
    return %c1_i32, %c0_i32, %arg0 : i32, i32, i32
  }
  func.func @transform_2(%arg0: i32) -> (i32, i32) {
    %c0_i32 = arith.constant 0 : i32
    %c0_i32_0 = arith.constant 0 : i32
    %c0_i32_1 = arith.constant 0 : i32
    return %c0_i32, %c0_i32_0 : i32, i32
  }
  func.func @transform_3(%arg0: i32) -> (i32, i32) {
    %c0_i32 = arith.constant 0 : i32
    %c0_i32_0 = arith.constant 0 : i32
    %c0_i32_1 = arith.constant 0 : i32
    return %c0_i32, %c0_i32_0 : i32, i32
  }
  func.func @transform_4(%arg0: i32) -> (i32, i32) {
    %c0_i32 = arith.constant 0 : i32
    %c0_i32_0 = arith.constant 0 : i32
    %c0_i32_1 = arith.constant 0 : i32
    return %c0_i32, %c0_i32_0 : i32, i32
  }
  func.func @transform_5(%arg0: i32) -> (i32, i32) {
    %c0_i32 = arith.constant 0 : i32
    %c0_i32_0 = arith.constant 0 : i32
    %c0_i32_1 = arith.constant 0 : i32
    return %c0_i32, %c0_i32_0 : i32, i32
  }
  func.func @transform_6(%arg0: i32) -> (i32, i32) {
    %c0_i32 = arith.constant 0 : i32
    %c0_i32_0 = arith.constant 0 : i32
    %c0_i32_1 = arith.constant 0 : i32
    return %c0_i32, %c0_i32_0 : i32, i32
  }
  func.func @transform_7(%arg0: i32) -> (i32, i32) {
    %c0_i32 = arith.constant 0 : i32
    %c0_i32_0 = arith.constant 0 : i32
    %c0_i32_1 = arith.constant 0 : i32
    return %c0_i32, %c0_i32_0 : i32, i32
  }
}

</mosaic_0001>

<sc_bundles>
// kernel: kernel.6.cloned.1.call-start
scs
__scs_entry_jumppad:
0x0: {  	(pc) =	sbr.rel $0x88, $3  }
0x1: {  	(tag) =	ssettag $0x0;
	lr =	simm.s32 $0x1  }
0x2: {  	[smem:$0x3F93] =	sst lr;
	_ =	strace $0xD0000000  }
0x3: {  	_ = 	snop  }
0x4: {  	_ = 	snop  }
0x5: {  	_ = 	snop  }
0x6: {  	_ = 	snop  }
0x7: {  	_ = 	snop  }
__scs_overlays_trampoline_lowered:
0x8: {  	[smem:$0x3FA2] =	sst s0  }
0x9: {  	[smem:$0x3FA3] =	sst s1  }
0xa: {  	[smem:$0x3FA4] =	sst s2  }
0xb: {  	[smem:$0x3FA5] =	sst s3  }
0xc: {  	[smem:$0x3FA6] =	sst s4  }
0xd: {  	[smem:$0x3FA7] =	sst s5  }
0xe: {  	[smem:$0x3FA8] =	sst s6  }
0xf: {  	[smem:$0x3FA9] =	sst s7  }
0x10: {  	[smem:$0x3FAA] =	sst s8  }
0x11: {  	[smem:$0x3FAB] =	sst s9;
	s0 =	simm.s32 @!p0 $0x0  }
0x12: {  	s1 =	sld [smem:$0x3F91];
	s0 =	simm.s32 @p0 $0x1  }
0x13: {  	[smem:$0x3FAC] =	sst s0;
	s0 =	simm.s32 @!p1 $0x0  }
0x14: {  	s2 =	sld [smem:$0x3F90];
	s0 =	simm.s32 @p1 $0x1  }
0x15: {  	[smem:$0x3FAD] =	sst s0;
	s0 =	simm.s32 @!p2 $0x0  }
0x16: {  	s3 =	sld [smem:$0x3FDB];
	s0 =	simm.s32 @p2 $0x1  }
0x17: {  	s4 =	simm.s32 $0x1BF5;
	[smem:$0x3FAF] =	sst s0  }
0x18: {  	s0 =	sld [smem:$0x3F92];
	_ =	swait.ge [sflag:s4], $0x0  }
0x19: {  	s7 =	sld [smem:$0x3F93]  }
0x1a: {  	s8 =	sadd.s32 $0xFFFFE003, lr  }
0x1b: {  	s9 =	sadd.s32 $0xFFFFFEF7, lr;
	s5 =	simm.s32 $0xFFFFFFFF;
	p2 =	slt.u32 s8, $0xFFFFF086  }
0x1c: {  	p1 =	slt.u32 s9, $0xF7A;
	s5 =	simm.s32 @!p2 $0x0  }
0x1d: {  	s5 =	simm.s32 @p1 $0x1;
	p0 =	seq.s32 s7, s2  }
0x1e: {  	s7 =	smul.u32 @!p0 $0xF7A, s2;
	p2 =	seq.s32 @!p0 s5, $0x0  }
0x1f: {  	s9 =	smul.u32 $0xF7A, s1;
	s8 =	simm.s32 @!p0 $0x1BF5;
	p2 =	por !p2, p0  }
0x20: {  	[sflag:s8] =	ssyncset.s32 @!p0 $0xFFFFF086;
	s6 =	sadd.s32 @!p0 s3, s7;
	s7 =	simm.s32 @!p0 $0x108  }
0x21: {  	s3 =	sadd.s32 s3, s9;
	s6 =	sadd.s32 @!p0 $0x88, s6;
	s7 =	simm.s32 @p2 $0x1082  }
0x22: {  	[simem:s7], [sflag:s8] =	dma.local @!p0 [hbm:s6], $0xF7A  }
0x23: {  	s9 =	sor.u32 $0xD0000000, s2;
	s6 =	simm.s32 $0x108;
	_ =	swait.ge @!p0 [sflag:s8], $0x0  }
0x24: {  	s3 =	sadd.s32 $0x88, s3;
	s6 =	simm.s32 @!p1 $0x1082;
	[sflag:s4] =	ssyncset.s32 $0xFFFFF086  }
0x25: {  	[simem:s6], [sflag:s4] =	dma.local [hbm:s3], $0xF7A  }
0x26: {  	[smem:$0x3F93] =	sst s1;
	(tag) =	ssettag s2;
	_ =	strace s9  }
0x27: {  	s1 =	sld [smem:$0x3FA3]  }
0x28: {  	s2 =	sld [smem:$0x3FA4]  }
0x29: {  	s4 =	sld [smem:$0x3FA6]  }
0x2a: {  	p0 =	seq.s32 s5, $0x0;
	s5 =	sld [smem:$0x3FA7]  }
0x2b: {  	s6 =	sld [smem:$0x3FA8]  }
0x2c: {  	s7 =	sld [smem:$0x3FA9]  }
0x2d: {  	s3 =	simm.s32 $0x108;
	s8 =	sld [smem:$0x3FAA]  }
0x2e: {  	s3 =	simm.s32 @!p0 $0x1082;
	s9 =	sld [smem:$0x3FAB]  }
0x2f: {  	lr =	sadd.s32 s0, s3;
	s0 =	sld [smem:$0x3FA2]  }
0x30: {  	s3 =	sld [smem:$0x3FA5]  }
0x31: {  	[smem:$0x3FAE] =	sst s10  }
0x32: {  	s10 =	sld [smem:$0x3FAC];
	_ =	sdelay $0x3  }
0x33: {  	p0 =	seq.s32 s10, $0x1;
	s10 =	sld [smem:$0x3FAE];
	_ =	sdelay $0x3  }
0x34: {  	[smem:$0x3FAE] =	sst s10  }
0x35: {  	s10 =	sld [smem:$0x3FAD];
	_ =	sdelay $0x3  }
0x36: {  	p1 =	seq.s32 s10, $0x1;
	s10 =	sld [smem:$0x3FAE];
	_ =	sdelay $0x3  }
0x37: {  	[smem:$0x3FAE] =	sst s10  }
0x38: {  	s10 =	sld [smem:$0x3FAF]  }
0x39: {  	_ = 	snop;
	(pc) =	sbr.ind lr, $3  }
0x3a: {  	_ = 	snop  }
0x3b: {  	_ = 	snop  }
0x3c: {  	p2 =	seq.s32 s10, $0x1;
	s10 =	sld [smem:$0x3FAE]  }
0x3d: {  	_ =	shalt  }
0x3e: {  	_ =	shalt  }
0x3f: {  	_ =	shalt  }
0x40: {  	_ =	shalt  }
0x41: {  	_ =	shalt  }
0x42: {  	_ =	shalt  }
0x43: {  	_ =	shalt  }
0x44: {  	_ =	shalt  }
0x45: {  	_ =	shalt  }
0x46: {  	_ =	shalt  }
0x47: {  	_ =	shalt  }
0x48: {  	_ =	shalt  }
0x49: {  	_ =	shalt  }
0x4a: {  	_ =	shalt  }
0x4b: {  	_ =	shalt  }
0x4c: {  	_ =	shalt  }
0x4d: {  	_ =	shalt  }
0x4e: {  	_ =	shalt  }
0x4f: {  	_ =	shalt  }
0x50: {  	_ =	shalt  }
0x51: {  	_ =	shalt  }
0x52: {  	_ =	shalt  }
0x53: {  	_ =	shalt  }
0x54: {  	_ =	shalt  }
0x55: {  	_ =	shalt  }
0x56: {  	_ =	shalt  }
0x57: {  	_ =	shalt  }
0x58: {  	_ =	shalt  }
0x59: {  	_ =	shalt  }
0x5a: {  	_ =	shalt  }
0x5b: {  	_ =	shalt  }
0x5c: {  	_ =	shalt  }
0x5d: {  	_ =	shalt  }
0x5e: {  	_ =	shalt  }
0x5f: {  	_ =	shalt  }
0x60: {  	_ =	shalt  }
0x61: {  	_ =	shalt  }
0x62: {  	_ =	shalt  }
0x63: {  	_ =	shalt  }
0x64: {  	_ =	shalt  }
0x65: {  	_ =	shalt  }
0x66: {  	_ =	shalt  }
0x67: {  	_ =	shalt  }
0x68: {  	_ =	shalt  }
0x69: {  	_ =	shalt  }
0x6a: {  	_ =	shalt  }
0x6b: {  	_ =	shalt  }
0x6c: {  	_ =	shalt  }
0x6d: {  	_ =	shalt  }
0x6e: {  	_ =	shalt  }
0x6f: {  	_ =	shalt  }
0x70: {  	_ =	shalt  }
0x71: {  	_ =	shalt  }
0x72: {  	_ =	shalt  }
0x73: {  	_ =	shalt  }
0x74: {  	_ =	shalt  }
0x75: {  	_ =	shalt  }
0x76: {  	_ =	shalt  }
0x77: {  	_ =	shalt  }
0x78: {  	_ =	shalt  }
0x79: {  	_ =	shalt  }
0x7a: {  	_ =	shalt  }
0x7b: {  	_ =	shalt  }
0x7c: {  	_ =	shalt  }
0x7d: {  	_ =	shalt  }
0x7e: {  	_ =	shalt  }
0x7f: {  	_ =	shalt  }
0x80: {  	_ =	shalt  }
0x81: {  	_ =	shalt  }
0x82: {  	_ =	shalt  }
0x83: {  	_ =	shalt  }
0x84: {  	_ =	shalt  }
0x85: {  	_ =	shalt  }
0x86: {  	_ =	shalt  }
0x87: {  	_ =	shalt  }
.Lfunc_end0:
.L_simem_size_0:
called_computation_lowered:
.L_overlay_start_0:
0x88: {  	s2 =	sld [smem:$0x3FD9]  }
0x89: {  	s3 =	sld [smem:$0x3FFE];
	_ =	sdelay $0x1  }
0x8a: {  	s1 =	srdreg.scid  }
0x8b: {  	s0 =	sand.u32 $0x1, s1  }
0x8c: {  	s16 =	sshll.u32 s0, $0xA;
	s2 =	sadd.s32 s3, s2  }
0x8d: {  	s2 =	sadd.s32 s2, s16  }
0x8e: {  	[smem:$0x3FBA] =	sst s2  }
0x8f: {  	_ = 	snop  }
0x90: {  	(tm) =	ssettm $0x1  }
0x91: {  	s17 =	sld [smem:$0x3FFB];
	_ =	sdelay $0x3  }
0x92: {  	_ =	strace s17  }
0x93: {  	s2 =	sld [smem:$0x3FFC];
	_ =	sdelay $0x3  }
0x94: {  	_ =	strace s2  }
0x95: {  	s2 =	sld [smem:$0x3FFD];
	_ =	sdelay $0x3  }
0x96: {  	_ =	strace s2  }
0x97: {  	_ =	strace $0x8FFFFFFF  }
0x98: {  	s18 =	sld [smem:$0x3FDB];
	_ =	sdelay $0x1  }
0x99: {  	s19 =	simm.s32 $_scs_section_size  }
0x9a: {  	s4 =	simm.s32 $_size__tile_overlayer_lowered;
	s5 =	simm.s32 $_tile_overlayer_lowered  }
0x9b: {  	s22 =	simm.s32 $0x1BFF;
	s21 =	sshll.u32 s5, $0x1;
	s2 =	sadd.s32 s19, s18  }
0x9c: {  	s6 =	simm.s32 $0x0;
	s20 =	sshll.u32 s4, $0x1;
	s4 =	sadd.s32 s21, s2  }
0x9d: {  	[timem:s6], [sflag:s22] =	dma.local [hbm:s4], s20  }
0x9e: {  	_ =	swait.ge [sflag:s22], s20  }
0x9f: {  	s3 =	ssub.s32 $0x0, s20;
	[sflag:s22] =	ssyncset.done $0x0  }
0xa0: {  	[sflag:s22] =	ssyncadd.s32 s3;
	_ =	sdelay $0x1  }
0xa1: {  	s23 =	simm.s32 $0x1B8B  }
0xa2: {  	_ =	swait.ge [sflag:s23], $0x1  }
0xa3: {  	[sflag:s23] =	ssyncset.done $0x0  }
0xa4: {  	s25 =	simm.s32 $0x1B8E;
	s24 =	sld [smem:$0x3FFE];
	[sflag:s23] =	ssyncadd.s32 $0xFFFFFFFF  }
0xa5: {  	s26 =	simm.s32 $execute0_lowered;
	[smem:$0x3FD2] =	sst s25  }
0xa6: {  	s4 =	sshll.u32 s26, $0x1;
	_ =	strace $0x80000046;
	[dreg:$0x1] =	wrdreg $0xFFFFFFFF  }
0xa7: {  	s28 =	simm.s32 $_size_execute0_lowered;
	s2 =	sadd.s32 s2, s4;
	[dreg:$0x0] =	wrdreg $0x0  }
0xa8: {  	s4 =	sshll.u32 s28, $0x1;
	[dreg:$0x2] =	wrdreg s2  }
0xa9: {  	[dreg:$0x3] =	wrdreg s4  }
0xaa: {  	[dreg:$0x4] =	wrdreg $0xC0  }
0xab: {  	_ =	task [dreg:s6], $0x5FFFF  }
0xac: {  	[dreg:$0x1] =	wrdreg $0xFFFFFFFF  }
0xad: {  	[dreg:$0x0] =	wrdreg $0x60  }
0xae: {  	[dreg:$0x2] =	wrdreg s24  }
0xaf: {  	[dreg:$0x3] =	wrdreg $0x9  }
0xb0: {  	_ =	task.clear_ibuf [dreg:s6], $0x4FFFF;
	_ =	strace $0x90000046  }
0xb1: {  	s29 =	simm.s32 $0x9;
	_ =	strace $0x80000048  }
0xb2: {  	_ =	swait.ge [sflag:s29], $0x1  }
0xb3: {  	[sflag:s29] =	ssyncadd.s32 $0xFFFFFFFF  }
0xb4: {  	_ =	strace $0x90000048  }
0xb5: {  	_ =	sfence  }
0xb6: {  	s30 =	sld [smem:$0x0];
	_ =	sdelay $0x2  }
0xb7: {  	s31 =	sshll.u32 s1, $0xD;
	s1 =	sshrl.u32 s1, $0x2  }
0xb8: {  	s3 =	sand.u32 $0x4000, s31;
	s1 =	sadd.s32 s1, s30  }
0xb9: {  	s0 =	sor.u32 s3, s0;
	s1 =	sshll.u32 s1, $0x11  }
0xba: {  	s0 =	sor.u32 s1, s0  }
0xbb: {  	s0 =	sadd.s32 $0x8F2B, s0  }
0xbc: {  	[sflag:s0] =	ssyncadd.remote.s32 $0x1  }
0xbd: {  	_ =	sfence.sel $0xFFFF  }
0xbe: {  	[dreg:$0x0] =	wrdreg $0xFFFFFFFF;
	(pc) =	sbr.abs _section_cstart, $3  }
0xbf: {  	[dreg:$0x1] =	wrdreg $0xFFFFFFFF  }
0xc0: {  	_ =	task.clear_ibuf [dreg:s6], $0x2FFFF;
	_ =	strace $0x9FFFFFFF  }
0xc1: {  	(tm) =	ssettm $0x7FFFFFFF  }
tec
execute0_lowered:
.L_overlay_start_1:
0x0: {  	(tag) =	ssettag $0x1  }
0x1: {  	s0 =	rddreg [dreg:$0x0];
	s1 =	simm.s32 $0x0  }
0x2: {  	s23 =	srdreg.scid;
	s9 =	stileid.u32;
	s12 =	simm.s32 $0x2  }
0x3: {  	s14 =	simm.s32 $0x13000;
	s15 =	simm.s32 $0x80;
	s16 =	simm.s32 $0x10400  }
0x4: {  	s21 =	simm.s32 $0x12E00;
	s28 =	simm.s32 $0x12F00;
	s29 =	simm.s32 $0x12980  }
0x5: {  	s30 =	simm.s32 $0x12F80;
	s31 =	simm.s32 $0x13600;
	[smem:$0x7FF] =	sst s1  }
0x6: {  	s2 =	sadd.s32 $0x3E200, s0;
	s3 =	sadd.s32 $0x20E00, s0;
	s5 =	sadd.s32 $0x2400, s0  }
0x7: {  	s6 =	sadd.s32 $0x5D200, s0;
	s7 =	sadd.s32 $0x1037A00, s0;
	s8 =	sshll.u32 s9, $0x1  }
0x8: {  	_ =	strace $0x80000047;
	[dreg:$0x2] =	wrdreg s3;
	s3 =	sand.u32 $0x1, s23  }
0x9: {  	s10 =	smul.u32 $0xF800, s9;
	s23 =	simm.s32 $0x1;
	s4 =	ssub.s32 $0x2, s3  }
0xa: {  	v1 =	vimm.s32 $0x7FFF;
	s11 =	sor.u32 s3, s8;
	s3 =	smul.u32 $0x7C00, s3;
	s8 =	sadd.s32 $0xB8C00, s0  }
0xb: {  	v3 =	vlaneseq.u32;
	s24 =	sshrl.u32 s4, $0x1;
	s9 =	smul.u32 $0x7C00, s11;
	s11 =	simm.s32 $0x0  }
0xc: {  	v0 =	vmul.u32 $0x3, v3;
	s25 =	ssub.s32 s4, s24;
	s26 =	sadd.s32 s3, s10;
	s3 =	simm.s32 $0x12C00  }
0xd: {  	v2 =	vimm.s32 $0x0;
	s4 =	simm.s32 $0x13A00;
	s0 =	smax.u32 s25, $0x1;
	[dreg:$0x4] =	wrdreg s26  }
0xe: {  	v3 =	vmul.u32 $0x10, v3;
	v4 =	vadd.s32 $0x1, v0;
	v5 =	vadd.s32 $0x2, v0;
	s25 =	simm.s32 $0x12A00;
	[dreg:$0x3] =	wrdreg s0;
	s0 =	simm.s32 $0x13800  }
.LBB2_1:
0xf: {  	[dreg:$0x5] =	wrdreg s11  }
0x10: {  	s10 =	rddreg [dreg:$0x2]  }
0x11: {  	[tilespmem:s1], [sflag:$0x2] =	stream.linear.gather [hbm4b:s10+s1], $0x10000, $0x38;
	[tilespmem:$0x13C00] =	vst v63  }
0x12: {  	_ =	swait.ge [sflag:s12], $0x10000  }
0x13: {  	[sflag:s12] =	ssyncset.done $0x0  }
0x14: {  	s11 =	simm.s32 $0x0;
	s10 =	rddreg [dreg:$0x4];
	[sflag:s12] =	ssyncadd.s32 $0xFFFF0000  }
.LBB2_2:
0x15: {  	s13 =	sshll.u32 s11, $0x9  }
0x16: {  	s17 =	sadd.s32 s9, s13  }
0x17: {  	s18 =	simm.s32 $0x0;
	s13 =	sshrl.u32 s17, $0x3;
	s17 =	smin.u32 s17, $0xF4040  }
0x18: {  	s20 =	simm.s32 $0x10000;
	s19 =	sadd.s32 s2, s13;
	s17 =	smul.u32 $0x3, s17  }
0x19: {  	[tilespmem:s20], [sflag:$0x2] =	stream.linear.gather [hbm4b:s19+s18], $0x200, $0x38;
	[tilespmem:$0x13C00] =	vst v63  }
0x1a: {  	_ =	swait.ge [sflag:s12], $0x200  }
0x1b: {  	s17 =	sshrl.u32 s17, $0x3;
	[sflag:s12] =	ssyncset.done $0x0  }
0x1c: {  	s17 =	sadd.s32 s7, s17;
	[sflag:s12] =	ssyncadd.s32 $0xFFFFFE00  }
0x1d: {  	[tilespmem:s14], [sflag:$0x2] =	stream.linear.gather [hbm4b:s17+s18], $0x600, $0x38;
	[tilespmem:$0x13C00] =	vst v63  }
0x1e: {  	p0 =	slt.s32 s10, $0xF4040;
	s17 =	smov.u32 s10;
	_ =	swait.ge [sflag:s12], $0x600  }
0x1f: {  	s17 =	simm.s32 @!p0 $0xF4040;
	[sflag:s12] =	ssyncset.done $0x0  }
0x20: {  	s17 =	ssub.s32 s10, s17;
	[sflag:s12] =	ssyncadd.s32 $0xFFFFFA00  }
.LBB2_3:
0x21: {  	s19 =	sshra.s32 s18, $0x2;
	v7 =	vld.idx.msk [tilespmem:v1+s1+$0x0], $0xffff  }
0x22: {  	v6 =	vld [tilespmem:s19+$0x10000];
	_ =	sdelay $0x4  }
0x23: {  	vm0 =	vlt.f32 v7, v6  }
0x24: {  	v7 =	vsel vm0, $0x8000, v2  }
0x25: {  	v8 =	vor.u32 $0x3FFF, v7;
	_ =	sdelay $0x4  }
0x26: {  	v8 =	vld.idx.msk [tilespmem:v8+s1+$0x0], $0xffff;
	_ =	sdelay $0x4  }
0x27: {  	v50 =	vor.u32 $0x4000, v7;
	vm13 =	vlt.f32 v8, v6  }
0x28: {  	v7 =	vsel vm13, v50, v7  }
0x29: {  	v8 =	vor.u32 $0x1FFF, v7;
	_ =	sdelay $0x4  }
0x2a: {  	v8 =	vld.idx.msk [tilespmem:v8+s1+$0x0], $0xffff;
	_ =	sdelay $0x4  }
0x2b: {  	v51 =	vor.u32 $0x2000, v7;
	vm14 =	vlt.f32 v8, v6  }
0x2c: {  	v7 =	vsel vm14, v51, v7  }
0x2d: {  	v8 =	vor.u32 $0xFFF, v7;
	_ =	sdelay $0x4  }
0x2e: {  	v8 =	vld.idx.msk [tilespmem:v8+s1+$0x0], $0xffff;
	_ =	sdelay $0x4  }
0x2f: {  	v52 =	vor.u32 $0x1000, v7;
	vm15 =	vlt.f32 v8, v6  }
0x30: {  	v7 =	vsel vm15, v52, v7  }
0x31: {  	v8 =	vadd.s32 $0x7FF, v7;
	_ =	sdelay $0x4  }
0x32: {  	v8 =	vld.idx.msk [tilespmem:v8+s1+$0x0], $0xffff;
	_ =	sdelay $0x4  }
0x33: {  	v53 =	vadd.s32 $0x800, v7;
	vm4 =	vlt.f32 v8, v6  }
0x34: {  	v7 =	vsel vm4, v53, v7  }
0x35: {  	v8 =	vadd.s32 $0x3FF, v7;
	_ =	sdelay $0x4  }
0x36: {  	v8 =	vld.idx.msk [tilespmem:v8+s1+$0x0], $0xffff;
	_ =	sdelay $0x4  }
0x37: {  	v54 =	vadd.s32 $0x400, v7;
	vm5 =	vlt.f32 v8, v6  }
0x38: {  	v7 =	vsel vm5, v54, v7  }
0x39: {  	v8 =	vadd.s32 $0x1FF, v7;
	_ =	sdelay $0x4  }
0x3a: {  	v8 =	vld.idx.msk [tilespmem:v8+s1+$0x0], $0xffff;
	_ =	sdelay $0x4  }
0x3b: {  	v55 =	vadd.s32 $0x200, v7;
	vm6 =	vlt.f32 v8, v6  }
0x3c: {  	v7 =	vsel vm6, v55, v7  }
0x3d: {  	v8 =	vadd.s32 $0xFF, v7;
	_ =	sdelay $0x4  }
0x3e: {  	v8 =	vld.idx.msk [tilespmem:v8+s1+$0x0], $0xffff;
	_ =	sdelay $0x4  }
0x3f: {  	v56 =	vadd.s32 $0x100, v7;
	vm7 =	vlt.f32 v8, v6  }
0x40: {  	v7 =	vsel vm7, v56, v7  }
0x41: {  	v8 =	vadd.s32 $0x7F, v7;
	_ =	sdelay $0x4  }
0x42: {  	v8 =	vld.idx.msk [tilespmem:v8+s1+$0x0], $0xffff;
	_ =	sdelay $0x4  }
0x43: {  	v57 =	vadd.s32 $0x80, v7;
	vm8 =	vlt.f32 v8, v6  }
0x44: {  	v7 =	vsel vm8, v57, v7  }
0x45: {  	v8 =	vadd.s32 $0x3F, v7;
	_ =	sdelay $0x4  }
0x46: {  	v8 =	vld.idx.msk [tilespmem:v8+s1+$0x0], $0xffff;
	_ =	sdelay $0x4  }
0x47: {  	v58 =	vadd.s32 $0x40, v7;
	vm9 =	vlt.f32 v8, v6  }
0x48: {  	v7 =	vsel vm9, v58, v7  }
0x49: {  	v8 =	vadd.s32 $0x1F, v7;
	_ =	sdelay $0x4  }
0x4a: {  	v8 =	vld.idx.msk [tilespmem:v8+s1+$0x0], $0xffff;
	_ =	sdelay $0x4  }
0x4b: {  	v59 =	vadd.s32 $0x20, v7;
	vm10 =	vlt.f32 v8, v6  }
0x4c: {  	v7 =	vsel vm10, v59, v7  }
0x4d: {  	v8 =	vadd.s32 $0xF, v7;
	_ =	sdelay $0x4  }
0x4e: {  	v8 =	vld.idx.msk [tilespmem:v8+s1+$0x0], $0xffff;
	_ =	sdelay $0x4  }
0x4f: {  	v60 =	vadd.s32 $0x10, v7;
	vm11 =	vlt.f32 v8, v6  }
0x50: {  	v7 =	vsel vm11, v60, v7  }
0x51: {  	v8 =	vadd.s32 $0x7, v7;
	_ =	sdelay $0x4  }
0x52: {  	v8 =	vld.idx.msk [tilespmem:v8+s1+$0x0], $0xffff;
	_ =	sdelay $0x4  }
0x53: {  	v61 =	vadd.s32 $0x8, v7;
	vm12 =	vlt.f32 v8, v6  }
0x54: {  	v7 =	vsel vm12, v61, v7  }
0x55: {  	v8 =	vadd.s32 $0x3, v7;
	_ =	sdelay $0x4  }
0x56: {  	v8 =	vld.idx.msk [tilespmem:v8+s1+$0x0], $0xffff;
	_ =	sdelay $0x4  }
0x57: {  	v62 =	vadd.s32 $0x4, v7;
	vm13 =	vlt.f32 v8, v6  }
0x58: {  	v7 =	vsel vm13, v62, v7  }
0x59: {  	v8 =	vadd.s32 $0x1, v7;
	_ =	sdelay $0x4  }
0x5a: {  	v8 =	vld.idx.msk [tilespmem:v8+s1+$0x0], $0xffff;
	_ =	sdelay $0x4  }
0x5b: {  	v63 =	vadd.s32 $0x2, v7;
	vm14 =	vlt.f32 v8, v6  }
0x5c: {  	v7 =	vsel vm14, v63, v7;
	_ =	sdelay $0x4  }
0x5d: {  	v8 =	vld.idx.msk [tilespmem:v7+s1+$0x0], $0xffff;
	_ =	sdelay $0x3  }
0x5e: {  	p0 =	sne.s32 s18, $0x7C0  }
.Ltmp0:
0x5f: {  	vm15 =	vlt.f32 v8, v6;
	(pc) =	sbr.rel @p0 .LBB2_3-.Ltmp0, $4  }
0x60: {  	v6 =	vsel vm15, $0x1, v2  }
0x61: {  	v6 =	vadd.s32 v6, v7  }
0x62: {  	v6 =	vmin.u32 v6, $0xF423  }
0x63: {  	s18 =	sadd.s32 $0x40, s18;
	[tilespmem:s19+$0x10200] =	vst v6  }
0x64: {  	s18 =	simm.s32 $0x10200  }
0x65: {  	[tilespmem:s16], [sflag:$0x1] =	stream.indirect.gather [hbm4b:s5+s15], $0x10, s18, s15, $0xb8;
	[tilespmem:$0x13C00] =	vst v63  }
0x66: {  	s19 =	simm.s32 $0x10280;
	s20 =	simm.s32 $0x10C00  }
0x67: {  	[tilespmem:s20], [sflag:$0x1] =	stream.indirect.gather [hbm4b:s5+s15], $0x10, s19, s15, $0xb8;
	[tilespmem:$0x13C00] =	vst v63  }
0x68: {  	s22 =	simm.s32 $0x11400;
	s20 =	simm.s32 $0x10300  }
0x69: {  	[tilespmem:s22], [sflag:$0x1] =	stream.indirect.gather [hbm4b:s5+s15], $0x10, s20, s15, $0xb8;
	[tilespmem:$0x13C00] =	vst v63  }
0x6a: {  	s24 =	simm.s32 $0x10380;
	s26 =	simm.s32 $0x11C00  }
0x6b: {  	[tilespmem:s26], [sflag:$0x1] =	stream.indirect.gather [hbm4b:s5+s15], $0x10, s24, s15, $0xb8;
	[tilespmem:$0x13C00] =	vst v63  }
0x6c: {  	_ =	swait.ge [sflag:s23], $0x800  }
0x6d: {  	[sflag:s23] =	ssyncset.done $0x0  }
0x6e: {  	[sflag:s23] =	ssyncadd.s32 $0xFFFFF800  }
0x6f: {  	_ =	swait.ge [sflag:s23], $0x800  }
0x70: {  	[sflag:s23] =	ssyncset.done $0x0  }
0x71: {  	[sflag:s23] =	ssyncadd.s32 $0xFFFFF800  }
0x72: {  	_ =	swait.ge [sflag:s23], $0x800  }
0x73: {  	[sflag:s23] =	ssyncset.done $0x0  }
0x74: {  	[sflag:s23] =	ssyncadd.s32 $0xFFFFF800  }
0x75: {  	s19 =	simm.s32 $0x0;
	_ =	swait.ge [sflag:s23], $0x800  }
0x76: {  	s20 =	simm.s32 $0x10000;
	s22 =	simm.s32 $0x12400;
	[sflag:s23] =	ssyncset.done $0x0  }
0x77: {  	s24 =	simm.s32 $0x12600;
	s26 =	simm.s32 $0x12800;
	[sflag:s23] =	ssyncadd.s32 $0xFFFFF800  }
.LBB2_5:
0x78: {  	v6 =	vmov s19  }
0x79: {  	v6 =	vshll.u32 v6, $0x4  }
0x7a: {  	v6 =	vor.u32 v3, v6  }
0x7b: {  	v7 =	vor.u32 $0x7, v6;
	_ =	sdelay $0x3  }
0x7c: {  	v8 =	vld [tilespmem:s20+$0x0]  }
0x7d: {  	v7 =	vld.idx.msk [tilespmem:v7+s16+$0x0], $0xffff;
	_ =	sdelay $0x4  }
0x7e: {  	vm0 =	vlt.f32 v7, v8  }
0x7f: {  	v7 =	vsel vm0, $0x8, v2  }
0x80: {  	v9 =	vor.u32 v6, v7  }
0x81: {  	v10 =	vor.u32 $0x3, v9;
	_ =	sdelay $0x4  }
0x82: {  	v10 =	vld.idx.msk [tilespmem:v10+s16+$0x0], $0xffff;
	_ =	sdelay $0x4  }
0x83: {  	v60 =	vor.u32 $0x4, v7;
	vm12 =	vlt.f32 v10, v8  }
0x84: {  	v7 =	vsel vm12, v60, v7  }
0x85: {  	v10 =	vand.u32 $0x4, v7  }
0x86: {  	v9 =	vor.u32 v10, v9  }
0x87: {  	v9 =	vor.u32 $0x1, v9;
	_ =	sdelay $0x4  }
0x88: {  	v9 =	vld.idx.msk [tilespmem:v9+s16+$0x0], $0xffff;
	_ =	sdelay $0x4  }
0x89: {  	v61 =	vor.u32 $0x2, v7;
	vm13 =	vlt.f32 v9, v8  }
0x8a: {  	v7 =	vsel vm13, v61, v7  }
0x8b: {  	v6 =	vor.u32 v6, v7;
	_ =	sdelay $0x4  }
0x8c: {  	v6 =	vld.idx.msk [tilespmem:v6+s16+$0x0], $0xffff  }
0x8d: {  	v62 =	vld [tilespmem:s18+$0x0];
	_ =	sdelay $0x3  }
0x8e: {  	vm14 =	vlt.f32 v6, v8  }
0x8f: {  	v63 =	vshll.u32 v62, $0x4;
	v6 =	vsel vm14, $0x1, v2  }
0x90: {  	v6 =	vor.u32 v6, v63  }
0x91: {  	v6 =	vor.u32 v7, v6  }
0x92: {  	vm15 =	vlt.s32 v6, $0xF423F  }
0x93: {  	p0 =	sne.s32 s19, $0x1F0;
	v6 =	vnsel vm15, $0xF423F, v6  }
.Ltmp1:
0x94: {  	v6 =	vmul.u32 $0x3, v6;
	(pc) =	sbr.rel @p0 .LBB2_5-.Ltmp1, $4  }
0x95: {  	_ = 	snop  }
0x96: {  	[tilespmem:s22+$0x0] =	vst v6;
	v7 =	vadd.s32 $0x1, v6  }
0x97: {  	s20 =	sadd.s32 $0x10, s20;
	s18 =	sadd.s32 $0x10, s18;
	s19 =	sadd.s32 $0x10, s19;
	v6 =	vadd.s32 $0x2, v6;
	[tilespmem:s24+$0x0] =	vst v7  }
0x98: {  	s22 =	sadd.s32 $0x10, s22;
	s24 =	sadd.s32 $0x10, s24;
	[tilespmem:s26+$0x0] =	vst v6;
	s26 =	sadd.s32 $0x10, s26  }
0x99: {  	s18 =	simm.s32 $0x12400  }
0x9a: {  	[tilespmem:s25], [sflag:$0x1] =	stream.indirect.gather [hbm4b:s6+s15], $0x1, s18, s15, $0xb8;
	[tilespmem:$0x13C00] =	vst v63  }
0x9b: {  	s22 =	simm.s32 $0x12480;
	s19 =	simm.s32 $0x12A80  }
0x9c: {  	[tilespmem:s19], [sflag:$0x1] =	stream.indirect.gather [hbm4b:s6+s15], $0x1, s22, s15, $0xb8;
	[tilespmem:$0x13C00] =	vst v63  }
0x9d: {  	s24 =	simm.s32 $0x12500;
	s26 =	simm.s32 $0x12B00  }
0x9e: {  	[tilespmem:s26], [sflag:$0x1] =	stream.indirect.gather [hbm4b:s6+s15], $0x1, s24, s15, $0xb8;
	[tilespmem:$0x13C00] =	vst v63  }
0x9f: {  	s20 =	simm.s32 $0x12B80;
	s19 =	simm.s32 $0x12580  }
0xa0: {  	[tilespmem:s20], [sflag:$0x1] =	stream.indirect.gather [hbm4b:s6+s15], $0x1, s19, s15, $0xb8;
	[tilespmem:$0x13C00] =	vst v63  }
0xa1: {  	s22 =	simm.s32 $0x12600  }
0xa2: {  	[tilespmem:s3], [sflag:$0x1] =	stream.indirect.gather [hbm4b:s6+s15], $0x1, s22, s15, $0xb8;
	[tilespmem:$0x13C00] =	vst v63  }
0xa3: {  	s24 =	simm.s32 $0x12680;
	s26 =	simm.s32 $0x12C80  }
0xa4: {  	[tilespmem:s26], [sflag:$0x1] =	stream.indirect.gather [hbm4b:s6+s15], $0x1, s24, s15, $0xb8;
	[tilespmem:$0x13C00] =	vst v63  }
0xa5: {  	s20 =	simm.s32 $0x12700;
	s22 =	simm.s32 $0x12D00  }
0xa6: {  	[tilespmem:s22], [sflag:$0x1] =	stream.indirect.gather [hbm4b:s6+s15], $0x1, s20, s15, $0xb8;
	[tilespmem:$0x13C00] =	vst v63  }
0xa7: {  	s24 =	simm.s32 $0x12780;
	s26 =	simm.s32 $0x12D80  }
0xa8: {  	[tilespmem:s26], [sflag:$0x1] =	stream.indirect.gather [hbm4b:s6+s15], $0x1, s24, s15, $0xb8;
	[tilespmem:$0x13C00] =	vst v63  }
0xa9: {  	s20 =	simm.s32 $0x12800  }
0xaa: {  	[tilespmem:s21], [sflag:$0x1] =	stream.indirect.gather [hbm4b:s6+s15], $0x1, s20, s15, $0xb8;
	[tilespmem:$0x13C00] =	vst v63  }
0xab: {  	s22 =	simm.s32 $0x12880;
	s24 =	simm.s32 $0x12E80  }
0xac: {  	[tilespmem:s24], [sflag:$0x1] =	stream.indirect.gather [hbm4b:s6+s15], $0x1, s22, s15, $0xb8;
	[tilespmem:$0x13C00] =	vst v63  }
0xad: {  	s26 =	simm.s32 $0x12900  }
0xae: {  	[tilespmem:s28], [sflag:$0x1] =	stream.indirect.gather [hbm4b:s6+s15], $0x1, s26, s15, $0xb8;
	[tilespmem:$0x13C00] =	vst v63  }
0xaf: {  	_ = 	snop  }
0xb0: {  	[tilespmem:s30], [sflag:$0x1] =	stream.indirect.gather [hbm4b:s6+s15], $0x1, s29, s15, $0xb8;
	[tilespmem:$0x13C00] =	vst v63  }
0xb1: {  	_ =	swait.ge [sflag:s23], $0x80  }
0xb2: {  	[sflag:s23] =	ssyncset.done $0x0  }
0xb3: {  	[sflag:s23] =	ssyncadd.s32 $0xFFFFFF80  }
0xb4: {  	_ =	swait.ge [sflag:s23], $0x80  }
0xb5: {  	[sflag:s23] =	ssyncset.done $0x0  }
0xb6: {  	[sflag:s23] =	ssyncadd.s32 $0xFFFFFF80  }
0xb7: {  	_ =	swait.ge [sflag:s23], $0x80  }
0xb8: {  	[sflag:s23] =	ssyncset.done $0x0  }
0xb9: {  	[sflag:s23] =	ssyncadd.s32 $0xFFFFFF80  }
0xba: {  	_ =	swait.ge [sflag:s23], $0x80  }
0xbb: {  	[sflag:s23] =	ssyncset.done $0x0  }
0xbc: {  	[sflag:s23] =	ssyncadd.s32 $0xFFFFFF80  }
0xbd: {  	_ =	swait.ge [sflag:s23], $0x80  }
0xbe: {  	[sflag:s23] =	ssyncset.done $0x0  }
0xbf: {  	[sflag:s23] =	ssyncadd.s32 $0xFFFFFF80  }
0xc0: {  	_ =	swait.ge [sflag:s23], $0x80  }
0xc1: {  	[sflag:s23] =	ssyncset.done $0x0  }
0xc2: {  	[sflag:s23] =	ssyncadd.s32 $0xFFFFFF80  }
0xc3: {  	_ =	swait.ge [sflag:s23], $0x80  }
0xc4: {  	[sflag:s23] =	ssyncset.done $0x0  }
0xc5: {  	[sflag:s23] =	ssyncadd.s32 $0xFFFFFF80  }
0xc6: {  	_ =	swait.ge [sflag:s23], $0x80  }
0xc7: {  	[sflag:s23] =	ssyncset.done $0x0  }
0xc8: {  	[sflag:s23] =	ssyncadd.s32 $0xFFFFFF80  }
0xc9: {  	v6 =	vmov s17;
	_ =	swait.ge [sflag:s23], $0x80  }
0xca: {  	v6 =	vmul.u32 $0x3, v6;
	[sflag:s23] =	ssyncset.done $0x0  }
0xcb: {  	[sflag:s23] =	ssyncadd.s32 $0xFFFFFF80  }
0xcc: {  	v6 =	vbroadcast v6, $0x0;
	_ =	swait.ge [sflag:s23], $0x80  }
0xcd: {  	[sflag:s23] =	ssyncset.done $0x0  }
0xce: {  	v7 =	vadd.s32 v0, v6;
	[sflag:s23] =	ssyncadd.s32 $0xFFFFFF80  }
0xcf: {  	vm0 =	vlt.s32 v7, $0x5FF;
	_ =	swait.ge [sflag:s23], $0x80  }
0xd0: {  	v7 =	vnsel vm0, $0x5FF, v7;
	[sflag:s23] =	ssyncset.done $0x0  }
0xd1: {  	[sflag:s23] =	ssyncadd.s32 $0xFFFFFF80  }
0xd2: {  	_ =	swait.ge [sflag:s23], $0x80  }
0xd3: {  	[sflag:s23] =	ssyncset.done $0x0  }
0xd4: {  	v8 =	vadd.s32 v4, v6;
	[sflag:s23] =	ssyncadd.s32 $0xFFFFFF80  }
0xd5: {  	vm14 =	vlt.s32 v8, $0x5FF;
	v7 =	vld.idx.msk [tilespmem:v7+s14+$0x0], $0xffff  }
0xd6: {  	v8 =	vnsel vm14, $0x5FF, v8;
	_ =	sdelay $0x2  }
0xd7: {  	s18 =	simm.s32 $0x0  }
0xd8: {  	v9 =	vadd.s32 v5, v6;
	[tilespmem:s18+$0x13600] =	vst v7  }
0xd9: {  	vm15 =	vlt.s32 v9, $0x5FF;
	s19 =	sadd.s32 $0x10, s17;
	v6 =	vld.idx.msk [tilespmem:v8+s14+$0x0], $0xffff  }
0xda: {  	s17 =	simm.s32 $0x40;
	s20 =	simm.s32 $0x80;
	v7 =	vnsel vm15, $0x5FF, v9;
	v8 =	vmov s19  }
.LBB2_7:
0xdb: {  	p0 =	sne.s32 s20, $0x7C0;
	v8 =	vmul.u32 $0x3, v8;
	_ =	sdelay $0x1  }
0xdc: {  	v8 =	vbroadcast v8, $0x0  }
0xdd: {  	[tilespmem:s18+$0x13800] =	vst v6  }
0xde: {  	v6 =	vadd.s32 v0, v8;
	v7 =	vld.idx.msk [tilespmem:v7+s14+$0x0], $0xffff  }
0xdf: {  	vm0 =	vlt.s32 v6, $0x5FF  }
0xe0: {  	v6 =	vnsel vm0, $0x5FF, v6;
	_ =	sdelay $0x3  }
0xe1: {  	[tilespmem:s18+$0x13A00] =	vst v7  }
0xe2: {  	v7 =	vadd.s32 v4, v8;
	v6 =	vld.idx.msk [tilespmem:v6+s14+$0x0], $0xffff  }
0xe3: {  	vm0 =	vlt.s32 v7, $0x5FF  }
0xe4: {  	v7 =	vnsel vm0, $0x5FF, v7;
	_ =	sdelay $0x2  }
.Ltmp2:
0xe5: {  	s18 =	sshra.s32 s17, $0x2;
	s17 =	smov.u32 s20;
	(pc) =	sbr.rel @p0 .LBB2_7-.Ltmp2, $4  }
0xe6: {  	[tilespmem:s18+$0x13600] =	vst v6  }
0xe7: {  	v6 =	vld.idx.msk [tilespmem:v7+s14+$0x0], $0xffff;
	v7 =	vadd.s32 v5, v8  }
0xe8: {  	s19 =	sadd.s32 $0x10, s19;
	vm0 =	vlt.s32 v7, $0x5FF  }
0xe9: {  	s20 =	sadd.s32 $0x40, s20;
	v8 =	vmov s19;
	v7 =	vnsel vm0, $0x5FF, v7  }
0xea: {  	v8 =	vmul.u32 $0x3, v8;
	_ =	sdelay $0x1  }
0xeb: {  	v8 =	vbroadcast v8, $0x0;
	_ =	sdelay $0x1  }
0xec: {  	[tilespmem:s18+$0x13800] =	vst v6;
	v6 =	vadd.s32 v0, v8  }
0xed: {  	v7 =	vld.idx.msk [tilespmem:v7+s14+$0x0], $0xffff;
	vm0 =	vlt.s32 v6, $0x5FF  }
0xee: {  	v6 =	vnsel vm0, $0x5FF, v6;
	_ =	sdelay $0x3  }
0xef: {  	[tilespmem:s18+$0x13A00] =	vst v7;
	v7 =	vadd.s32 v4, v8  }
0xf0: {  	vm14 =	vlt.s32 v7, $0x5FF;
	v6 =	vld.idx.msk [tilespmem:v6+s14+$0x0], $0xffff  }
0xf1: {  	v7 =	vnsel vm14, $0x5FF, v7;
	_ =	sdelay $0x2  }
0xf2: {  	s17 =	sshra.s32 s17, $0x2  }
0xf3: {  	[tilespmem:s17+$0x13600] =	vst v6;
	v6 =	vadd.s32 v5, v8  }
0xf4: {  	v7 =	vld.idx.msk [tilespmem:v7+s14+$0x0], $0xffff;
	vm15 =	vlt.s32 v6, $0x5FF  }
0xf5: {  	v6 =	vnsel vm15, $0x5FF, v6;
	_ =	sdelay $0x3  }
0xf6: {  	[tilespmem:s17+$0x13800] =	vst v7  }
0xf7: {  	v6 =	vld.idx.msk [tilespmem:v6+s14+$0x0], $0xffff;
	_ =	sdelay $0x4  }
0xf8: {  	s13 =	sadd.s32 s8, s13;
	[tilespmem:s17+$0x13A00] =	vst v6  }
0xf9: {  	[hbm4b:s13+s1] =	stream.linear.scatter [tilespmem:s25], [sflag:$0x2], $0x200, $0x38;
	[tilespmem:$0x13C00] =	vst v63  }
0xfa: {  	_ =	swait.ge [sflag:s12], $0x200  }
0xfb: {  	[sflag:s12] =	ssyncset.done $0x0  }
0xfc: {  	s20 =	sadd.s32 $0x1F000, s13;
	[sflag:s12] =	ssyncadd.s32 $0xFFFFFE00  }
0xfd: {  	[hbm4b:s20+s1] =	stream.linear.scatter [tilespmem:s3], [sflag:$0x2], $0x200, $0x38;
	[tilespmem:$0x13C00] =	vst v63  }
0xfe: {  	_ =	swait.ge [sflag:s12], $0x200  }
0xff: {  	[sflag:s12] =	ssyncset.done $0x0  }
0x100: {  	s22 =	sadd.s32 $0x3E000, s13;
	[sflag:s12] =	ssyncadd.s32 $0xFFFFFE00  }
0x101: {  	[hbm4b:s22+s1] =	stream.linear.scatter [tilespmem:s21], [sflag:$0x2], $0x200, $0x38;
	[tilespmem:$0x13C00] =	vst v63  }
0x102: {  	_ =	swait.ge [sflag:s12], $0x200  }
0x103: {  	[sflag:s12] =	ssyncset.done $0x0  }
0x104: {  	s24 =	sadd.s32 $0x5D000, s13;
	[sflag:s12] =	ssyncadd.s32 $0xFFFFFE00  }
0x105: {  	[hbm4b:s24+s1] =	stream.linear.scatter [tilespmem:s31], [sflag:$0x2], $0x200, $0x38;
	[tilespmem:$0x13C00] =	vst v63  }
0x106: {  	_ =	swait.ge [sflag:s12], $0x200  }
0x107: {  	[sflag:s12] =	ssyncset.done $0x0  }
0x108: {  	s26 =	sadd.s32 $0x7C000, s13;
	[sflag:s12] =	ssyncadd.s32 $0xFFFFFE00  }
0x109: {  	[hbm4b:s26+s1] =	stream.linear.scatter [tilespmem:s0], [sflag:$0x2], $0x200, $0x38;
	[tilespmem:$0x13C00] =	vst v63  }
0x10a: {  	s11 =	sadd.s32 $0x1, s11;
	_ =	swait.ge [sflag:s12], $0x200  }
0x10b: {  	p0 =	sne.s32 s11, $0x3E;
	[sflag:s12] =	ssyncset.done $0x0  }
.Ltmp3:
0x10c: {  	s13 =	sadd.s32 $0x9B000, s13;
	[sflag:s12] =	ssyncadd.s32 $0xFFFFFE00;
	(pc) =	sbr.rel @p0 .LBB2_2-.Ltmp3, $4  }
0x10d: {  	[hbm4b:s13+s1] =	stream.linear.scatter [tilespmem:s4], [sflag:$0x2], $0x200, $0x38;
	[tilespmem:$0x13C00] =	vst v63  }
0x10e: {  	_ =	swait.ge [sflag:s12], $0x200  }
0x10f: {  	[sflag:s12] =	ssyncset.done $0x0  }
0x110: {  	s10 =	sadd.s32 $0x200, s10;
	[sflag:s12] =	ssyncadd.s32 $0xFFFFFE00  }
0x111: {  	s11 =	rddreg [dreg:$0x5]  }
0x112: {  	s10 =	rddreg [dreg:$0x3];
	s11 =	sadd.s32 $0x1, s11  }
0x113: {  	p0 =	sne.s32 s11, s10  }
.Ltmp4:
0x114: {  	_ = 	snop;
	(pc) =	sbr.rel @p0 .LBB2_1-.Ltmp4, $1  }
0x115: {  	_ =	sdelay $0x3  }
0x116: {  	_ =	sfence.sel $0x180000  }
0x117: {  	[bflag:$0x0] =	sbarrier.arrive $0xFFFF  }
0x118: {  	_ =	strace $0x90000047  }
0x119: {  	s0 =	stileid.u32;
	[bflag:$0x2] =	sbarrier.arrive $0xFFFF  }
0x11a: {  	p0 =	sne.s32 s0, $0x0;
	s0 =	rddreg [dreg:$0x1]  }
0x11b: {  	s0 =	sadd.s32 @!p0 $0x100000, s0  }
0x11c: {  	[sflag:s0] =	ssyncadd.tile.s32 @!p0 $0x1;
	_ =	shalt  }
.Lfunc_end2:
_tile_overlayer_lowered:
.L_overlay_start_2:
0x11d: {  	(tag) =	ssettag $0x2  }
0x11e: {  	s0 =	rddreg [dreg:$0x0];
	s2 =	stileid.u32  }
0x11f: {  	s1 =	rddreg [dreg:$0x1];
	p0 =	sne.s32 s2, $0x0  }
0x120: {  	s3 =	rddreg [dreg:$0x2];
	[bflag:$0x3] =	sbarrier.arrive $0xFFFF;
	s2 =	simm.s32 @!p0 $0x1C02  }
0x121: {  	[timem:s3], [sflag:s2] =	dma.local @!p0 [hbm:s0], s1  }
0x122: {  	s0 =	simm.s32 @!p0 $0x2  }
0x123: {  	_ =	swait.ge @!p0 [sflag:s0], s1  }
0x124: {  	s1 =	ssub.s32 @!p0 $0x0, s1;
	[sflag:s0] =	ssyncset.done @!p0 $0x0  }
0x125: {  	[sflag:s0] =	ssyncadd.s32 @!p0 s1  }
0x126: {  	[bflag:$0x3] =	sbarrier.arrive $0xFFFF  }
0x127: {  	_ =	shalt  }

</sc_bundles>
